<compile_context>
chip_gen: v7x
topology: tpu7x:2x2x1
jax: 0.10.2.dev20260603
libtpu: 0.0.44.dev20260713+nightly
codegen_flags: <defaults>
</compile_context>

<pallas_src>
import functools

import jax
import jax.numpy as jnp
from jax import lax
from jax.experimental import pallas as pl
from jax.experimental.pallas import tpu as pltpu
from jax.experimental.pallas import tpu_sc as plsc

_B = 4096
_D = 256
_NC = 2
_NS = 16
_L = 16
_NW = _NC * _NS
_BPW = _B // _NW
_CHUNKS = _D // _L
_CH = 32
_NCH = _BPW // _CH

_mesh = plsc.VectorSubcoreMesh(core_axis_name="c", subcore_axis_name="s")


@functools.partial(
    pl.kernel,
    mesh=_mesh,
    out_type=jax.ShapeDtypeStruct((_NW, _L), jnp.float32),
    scratch_types=[
        pltpu.VMEM((_BPW,), jnp.int32),
        pltpu.VMEM((_NCH, _CH, _D), jnp.float32),
        pltpu.VMEM((_BPW, _D), jnp.float32),
        pltpu.VMEM((_L,), jnp.float32),
        pltpu.SemaphoreType.DMA,
        pltpu.SemaphoreType.DMA,
        pltpu.SemaphoreType.DMA,
        pltpu.SemaphoreType.DMA,
    ],
)
def _center_loss_partials(feat_hbm, lab_hbm, cent_hbm, out_hbm,
                          idx_v, cent_v, feat_v, acc_v, s0, s1, s2, s3):
    wid = lax.axis_index("s") * _NC + lax.axis_index("c")
    base = wid * _BPW
    sems = [s0, s1, s2, s3]

    def issue_feat(j):
        return pltpu.async_copy(feat_hbm.at[pl.ds(base + j * _CH, _CH)],
                                feat_v.at[pl.ds(j * _CH, _CH)], sems[j])

    def issue_gather(j):
        return pltpu.async_copy(cent_hbm.at[idx_v.at[pl.ds(j * _CH, _CH)]],
                                cent_v.at[j], sems[j])

    f0 = issue_feat(0)
    f1 = issue_feat(1)
    pltpu.sync_copy(lab_hbm.at[pl.ds(base, _BPW)], idx_v)
    copies = [None] * _NCH
    copies[0] = (issue_gather(0), f0)
    copies[1] = None
    feats = [f0, f1, None, None]

    def make_body(j):
        def body(r, accs):
            new = list(accs)
            for c in range(_CHUNKS):
                f = feat_v[j * _CH + r, pl.ds(c * _L, _L)]
                g = cent_v[j, r, pl.ds(c * _L, _L)]
                d = f - g
                new[c % 4] = new[c % 4] + d * d
            return tuple(new)
        return body

    zero = jnp.zeros((_L,), jnp.float32)
    accs = (zero, zero, zero, zero)
    for j in range(_NCH):
        copies[j][0].wait()
        copies[j][1].wait()
        if j + 1 < _NCH:
            if feats[j + 1] is None:
                feats[j + 1] = issue_feat(j + 1)
            copies[j + 1] = (issue_gather(j + 1), feats[j + 1])
        if j + 2 < _NCH and feats[j + 2] is None:
            feats[j + 2] = issue_feat(j + 2)
        accs = lax.fori_loop(0, _CH, make_body(j), accs)
    a0, a1, a2, a3 = accs
    acc_v[...] = (a0 + a1) + (a2 + a3)
    pltpu.sync_copy(acc_v, out_hbm.at[wid])


def kernel(features, labels, centers):
    partials = _center_loss_partials(features, labels.astype(jnp.int32), centers)
    return jnp.sum(partials) / jnp.float32(_B * _D)

# --- scband reference (transcript-rebuilt; emitter-appended) ---
"""Pipeline reference for scband-center-loss-14955076125333 (READ-ONLY COPY).

The authoritative reference and input builder live on the scoring server;
editing this copy changes nothing except your own understanding.
"""

import jax, jax.numpy as jnp
import numpy as np

NUM_CLASSES = 100000
FEAT_DIM = 256
BATCH = 4096

def setup_inputs(seed: int = 0) -> dict:
    key = jax.random.key(seed)
    k1, k2, k3 = jax.random.split(key, 3)
    features = jax.random.normal(k1, (BATCH, FEAT_DIM), dtype=jnp.float32)
    labels = jax.random.randint(k2, (BATCH,), 0, NUM_CLASSES, dtype=jnp.int64)
    # learned parameter: class centers (xavier-uniform init approximated)
    limit = float(np.sqrt(6.0 / (NUM_CLASSES + FEAT_DIM)))
    centers = jax.random.uniform(k3, (NUM_CLASSES, FEAT_DIM), dtype=jnp.float32, minval=-limit, maxval=limit)
    return {"features": features, "labels": labels, "centers": centers}

def reference(features, labels, centers):
    # gather class centers for each sample (SparseCore-friendly gather)
    centers_batch = jnp.take(centers, labels, axis=0)
    # F.mse_loss with default 'mean' reduction
    loss = jnp.mean((features - centers_batch) ** 2)
    return loss

if __name__ == "__main__":
    import jax
    _d = setup_inputs()
    print(jax.jit(kernel)(*tuple(_d.values())))

</pallas_src>

<mosaic_0001>
#map = affine_map<(d0, d1) -> (0, 0)>
#map1 = affine_map<(d0, d1) -> (0)>
module attributes {stable_mosaic.version = 14 : i64} {
  func.func @_center_loss_partials(%arg0: i32, %arg1: i32, %arg2: memref<4096x256xf32, #tpu.memory_space<hbm>>, %arg3: memref<4096xi32, #tpu.memory_space<hbm>>, %arg4: memref<100000x256xf32, #tpu.memory_space<hbm>>, %arg5: memref<32x16xf32, #tpu.memory_space<hbm>>, %arg6: memref<128xi32, #tpu.memory_space<vmem>>, %arg7: memref<4x32x256xf32, #tpu.memory_space<vmem>>, %arg8: memref<128x256xf32, #tpu.memory_space<vmem>>, %arg9: memref<16xf32, #tpu.memory_space<vmem>>, %arg10: memref<!tpu.dma_semaphore, #tpu.memory_space<semaphore_mem>>, %arg11: memref<!tpu.dma_semaphore, #tpu.memory_space<semaphore_mem>>, %arg12: memref<!tpu.dma_semaphore, #tpu.memory_space<semaphore_mem>>, %arg13: memref<!tpu.dma_semaphore, #tpu.memory_space<semaphore_mem>>) attributes {dimension_semantics = [#tpu.dimension_semantics<core_parallel>, #tpu.dimension_semantics<subcore_parallel>], iteration_bounds = array<i64: 2, 16>, scalar_prefetch = 0 : i64, scratch_operands = 8 : i64, tpu.core_type = #tpu.core_type<sc_vector_subcore>, window_params = [{transform_indices = #map}, {transform_indices = #map1}, {transform_indices = #map}, {transform_indices = #map}]} {
    %mul3A = arith.constant 2 : i32
    %mul3A_0 = arith.muli %arg1, %mul3A : i32
    %add3A = arith.addi %mul3A_0, %arg0 : i32
    %mul3A_1 = arith.constant 128 : i32
    %mul3A_2 = arith.muli %add3A, %mul3A_1 : i32
    %add3A_3 = arith.constant 0 : i32
    %add3A_4 = arith.addi %mul3A_2, %add3A_3 : i32
    %dma_start3A = arith.constant 0 : i32
    %dma_start3A_5 = arith.constant 0 : i32
    %dma_start3A_6 = tpu.memref_slice %arg8[%dma_start3A, %dma_start3A_5] : memref<128x256xf32, #tpu.memory_space<vmem>> -> memref<32x256xf32, #tpu.memory_space<vmem>>
    %dma_start3A_7 = arith.constant 0 : i32
    %dma_start3A_8 = tpu.memref_slice %arg2[%add3A_4, %dma_start3A_7] : memref<4096x256xf32, #tpu.memory_space<hbm>> -> memref<32x256xf32, #tpu.memory_space<hbm>>
    %dma_start3A_9 = arith.constant 0 : i32
    %dma_start3A_10 = arith.constant 0 : i32
    %dma_start3A_11 = tpu.memref_slice %arg8[%dma_start3A_9, %dma_start3A_10] : memref<128x256xf32, #tpu.memory_space<vmem>> -> memref<32x256xf32, #tpu.memory_space<vmem>>
    %dma_start3A_12 = arith.constant 0 : i32
    %dma_start3A_13 = tpu.memref_slice %arg2[%add3A_4, %dma_start3A_12] : memref<4096x256xf32, #tpu.memory_space<hbm>> -> memref<32x256xf32, #tpu.memory_space<hbm>>
    tpu.enqueue_dma source(%dma_start3A_13 : memref<32x256xf32, #tpu.memory_space<hbm>>) target(%dma_start3A_11 : memref<32x256xf32, #tpu.memory_space<vmem>>) target_semaphore(%arg10 : memref<!tpu.dma_semaphore, #tpu.memory_space<semaphore_mem>>)
    %add3A_14 = arith.constant 32 : i32
    %add3A_15 = arith.addi %mul3A_2, %add3A_14 : i32
    %dma_start3A_16 = arith.constant 32 : i32
    %dma_start3A_17 = arith.constant 0 : i32
    %dma_start3A_18 = tpu.memref_slice %arg8[%dma_start3A_16, %dma_start3A_17] : memref<128x256xf32, #tpu.memory_space<vmem>> -> memref<32x256xf32, #tpu.memory_space<vmem>>
    %dma_start3A_19 = arith.constant 0 : i32
    %dma_start3A_20 = tpu.memref_slice %arg2[%add3A_15, %dma_start3A_19] : memref<4096x256xf32, #tpu.memory_space<hbm>> -> memref<32x256xf32, #tpu.memory_space<hbm>>
    %dma_start3A_21 = arith.constant 32 : i32
    %dma_start3A_22 = arith.constant 0 : i32
    %dma_start3A_23 = tpu.memref_slice %arg8[%dma_start3A_21, %dma_start3A_22] : memref<128x256xf32, #tpu.memory_space<vmem>> -> memref<32x256xf32, #tpu.memory_space<vmem>>
    %dma_start3A_24 = arith.constant 0 : i32
    %dma_start3A_25 = tpu.memref_slice %arg2[%add3A_15, %dma_start3A_24] : memref<4096x256xf32, #tpu.memory_space<hbm>> -> memref<32x256xf32, #tpu.memory_space<hbm>>
    tpu.enqueue_dma source(%dma_start3A_25 : memref<32x256xf32, #tpu.memory_space<hbm>>) target(%dma_start3A_23 : memref<32x256xf32, #tpu.memory_space<vmem>>) target_semaphore(%arg11 : memref<!tpu.dma_semaphore, #tpu.memory_space<semaphore_mem>>)
    "tpu.region"() ({
      %run_scoped3A = tpu.sem_alloc : memref<!tpu.dma_semaphore, #tpu.memory_space<semaphore_mem>>
      %dma_start3A_199 = tpu.memref_slice %arg3[%mul3A_2] : memref<4096xi32, #tpu.memory_space<hbm>> -> memref<128xi32, #tpu.memory_space<hbm>>
      %dma_start3A_200 = tpu.memref_slice %arg3[%mul3A_2] : memref<4096xi32, #tpu.memory_space<hbm>> -> memref<128xi32, #tpu.memory_space<hbm>>
      tpu.enqueue_dma source(%dma_start3A_200 : memref<128xi32, #tpu.memory_space<hbm>>) target(%arg6 : memref<128xi32, #tpu.memory_space<vmem>>) target_semaphore(%run_scoped3A : memref<!tpu.dma_semaphore, #tpu.memory_space<semaphore_mem>>)
      %dma_wait3A_201 = tpu.memref_slice %arg3[%mul3A_2] : memref<4096xi32, #tpu.memory_space<hbm>> -> memref<128xi32, #tpu.memory_space<hbm>>
      %dma_wait3A_202 = tpu.memref_slice %arg3[%mul3A_2] : memref<4096xi32, #tpu.memory_space<hbm>> -> memref<128xi32, #tpu.memory_space<hbm>>
      tpu.wait_dma2 semaphore(%run_scoped3A : memref<!tpu.dma_semaphore, #tpu.memory_space<semaphore_mem>>) src(%dma_wait3A_202 : memref<128xi32, #tpu.memory_space<hbm>>) dst(%arg6 : memref<128xi32, #tpu.memory_space<vmem>>)
      tpu.yield
    }) : () -> ()
    %dma_start3A_26 = arith.constant 0 : i32
    %dma_start3A_27 = arith.constant 0 : i32
    %dma_start3A_28 = arith.constant 0 : i32
    %dma_start3A_29 = tpu.memref_slice %arg7[%dma_start3A_26, %dma_start3A_27, %dma_start3A_28] : memref<4x32x256xf32, #tpu.memory_space<vmem>> -> memref<1x32x256xf32, #tpu.memory_space<vmem>>
    %dma_start3A_30 = tpu.memref_squeeze %dma_start3A_29 : memref<1x32x256xf32, #tpu.memory_space<vmem>> -> memref<32x256xf32, #tpu.memory_space<vmem>>
    %dma_start3A_31 = arith.constant 0 : i32
    %dma_start3A_32 = tpu.memref_slice %arg6[%dma_start3A_31] : memref<128xi32, #tpu.memory_space<vmem>> -> memref<32xi32, #tpu.memory_space<vmem>>
    %dma_start3A_33 = arith.constant 0 : i32
    %dma_start3A_34 = arith.constant 0 : i32
    %dma_start3A_35 = tpu.memref_slice %arg4[%dma_start3A_33, %dma_start3A_34] : memref<100000x256xf32, #tpu.memory_space<hbm>> -> memref<100000x256xf32, #tpu.memory_space<hbm>>
    tpu.enqueue_indirect_dma source(%dma_start3A_35 : memref<100000x256xf32, #tpu.memory_space<hbm>>) target(%dma_start3A_30 : memref<32x256xf32, #tpu.memory_space<vmem>>) offsets(%dma_start3A_32 : memref<32xi32, #tpu.memory_space<vmem>>) semaphore(%arg10 : memref<!tpu.dma_semaphore, #tpu.memory_space<semaphore_mem>>)
    %broadcast_in_dim3A = arith.constant 0.000000e+00 : f32
    %broadcast_in_dim3A_36 = vector.broadcast %broadcast_in_dim3A : f32 to vector<16xf32>
    %dma_wait3A = arith.constant 0 : i32
    %dma_wait3A_37 = arith.constant 0 : i32
    %dma_wait3A_38 = arith.constant 0 : i32
    %dma_wait3A_39 = tpu.memref_slice %arg7[%dma_wait3A, %dma_wait3A_37, %dma_wait3A_38] : memref<4x32x256xf32, #tpu.memory_space<vmem>> -> memref<1x32x256xf32, #tpu.memory_space<vmem>>
    %dma_wait3A_40 = tpu.memref_squeeze %dma_wait3A_39 : memref<1x32x256xf32, #tpu.memory_space<vmem>> -> memref<32x256xf32, #tpu.memory_space<vmem>>
    %dma_wait3A_41 = arith.constant 0 : i32
    %dma_wait3A_42 = tpu.memref_slice %arg6[%dma_wait3A_41] : memref<128xi32, #tpu.memory_space<vmem>> -> memref<32xi32, #tpu.memory_space<vmem>>
    %dma_wait3A_43 = arith.constant 0 : i32
    %dma_wait3A_44 = arith.constant 0 : i32
    %dma_wait3A_45 = tpu.memref_slice %arg4[%dma_wait3A_43, %dma_wait3A_44] : memref<100000x256xf32, #tpu.memory_space<hbm>> -> memref<100000x256xf32, #tpu.memory_space<hbm>>
    tpu.wait_indirect_dma semaphore(%arg10 : memref<!tpu.dma_semaphore, #tpu.memory_space<semaphore_mem>>) src(%dma_wait3A_45 : memref<100000x256xf32, #tpu.memory_space<hbm>>) dst(%dma_wait3A_40 : memref<32x256xf32, #tpu.memory_space<vmem>>)
    %dma_wait3A_46 = arith.constant 0 : i32
    %dma_wait3A_47 = arith.constant 0 : i32
    %dma_wait3A_48 = tpu.memref_slice %arg8[%dma_wait3A_46, %dma_wait3A_47] : memref<128x256xf32, #tpu.memory_space<vmem>> -> memref<32x256xf32, #tpu.memory_space<vmem>>
    %dma_wait3A_49 = arith.constant 0 : i32
    %dma_wait3A_50 = tpu.memref_slice %arg2[%add3A_4, %dma_wait3A_49] : memref<4096x256xf32, #tpu.memory_space<hbm>> -> memref<32x256xf32, #tpu.memory_space<hbm>>
    %dma_wait3A_51 = arith.constant 0 : i32
    %dma_wait3A_52 = arith.constant 0 : i32
    %dma_wait3A_53 = tpu.memref_slice %arg8[%dma_wait3A_51, %dma_wait3A_52] : memref<128x256xf32, #tpu.memory_space<vmem>> -> memref<32x256xf32, #tpu.memory_space<vmem>>
    %dma_wait3A_54 = arith.constant 0 : i32
    %dma_wait3A_55 = tpu.memref_slice %arg2[%add3A_4, %dma_wait3A_54] : memref<4096x256xf32, #tpu.memory_space<hbm>> -> memref<32x256xf32, #tpu.memory_space<hbm>>
    tpu.wait_dma2 semaphore(%arg10 : memref<!tpu.dma_semaphore, #tpu.memory_space<semaphore_mem>>) src(%dma_wait3A_55 : memref<32x256xf32, #tpu.memory_space<hbm>>) dst(%dma_wait3A_53 : memref<32x256xf32, #tpu.memory_space<vmem>>)
    %dma_start3A_56 = arith.constant 1 : i32
    %dma_start3A_57 = arith.constant 0 : i32
    %dma_start3A_58 = arith.constant 0 : i32
    %dma_start3A_59 = tpu.memref_slice %arg7[%dma_start3A_56, %dma_start3A_57, %dma_start3A_58] : memref<4x32x256xf32, #tpu.memory_space<vmem>> -> memref<1x32x256xf32, #tpu.memory_space<vmem>>
    %dma_start3A_60 = tpu.memref_squeeze %dma_start3A_59 : memref<1x32x256xf32, #tpu.memory_space<vmem>> -> memref<32x256xf32, #tpu.memory_space<vmem>>
    %dma_start3A_61 = arith.constant 32 : i32
    %dma_start3A_62 = tpu.memref_slice %arg6[%dma_start3A_61] : memref<128xi32, #tpu.memory_space<vmem>> -> memref<32xi32, #tpu.memory_space<vmem>>
    %dma_start3A_63 = arith.constant 0 : i32
    %dma_start3A_64 = arith.constant 0 : i32
    %dma_start3A_65 = tpu.memref_slice %arg4[%dma_start3A_63, %dma_start3A_64] : memref<100000x256xf32, #tpu.memory_space<hbm>> -> memref<100000x256xf32, #tpu.memory_space<hbm>>
    tpu.enqueue_indirect_dma source(%dma_start3A_65 : memref<100000x256xf32, #tpu.memory_space<hbm>>) target(%dma_start3A_60 : memref<32x256xf32, #tpu.memory_space<vmem>>) offsets(%dma_start3A_62 : memref<32xi32, #tpu.memory_space<vmem>>) semaphore(%arg11 : memref<!tpu.dma_semaphore, #tpu.memory_space<semaphore_mem>>)
    %add3A_66 = arith.constant 64 : i32
    %add3A_67 = arith.addi %mul3A_2, %add3A_66 : i32
    %dma_start3A_68 = arith.constant 64 : i32
    %dma_start3A_69 = arith.constant 0 : i32
    %dma_start3A_70 = tpu.memref_slice %arg8[%dma_start3A_68, %dma_start3A_69] : memref<128x256xf32, #tpu.memory_space<vmem>> -> memref<32x256xf32, #tpu.memory_space<vmem>>
    %dma_start3A_71 = arith.constant 0 : i32
    %dma_start3A_72 = tpu.memref_slice %arg2[%add3A_67, %dma_start3A_71] : memref<4096x256xf32, #tpu.memory_space<hbm>> -> memref<32x256xf32, #tpu.memory_space<hbm>>
    %dma_start3A_73 = arith.constant 64 : i32
    %dma_start3A_74 = arith.constant 0 : i32
    %dma_start3A_75 = tpu.memref_slice %arg8[%dma_start3A_73, %dma_start3A_74] : memref<128x256xf32, #tpu.memory_space<vmem>> -> memref<32x256xf32, #tpu.memory_space<vmem>>
    %dma_start3A_76 = arith.constant 0 : i32
    %dma_start3A_77 = tpu.memref_slice %arg2[%add3A_67, %dma_start3A_76] : memref<4096x256xf32, #tpu.memory_space<hbm>> -> memref<32x256xf32, #tpu.memory_space<hbm>>
    tpu.enqueue_dma source(%dma_start3A_77 : memref<32x256xf32, #tpu.memory_space<hbm>>) target(%dma_start3A_75 : memref<32x256xf32, #tpu.memory_space<vmem>>) target_semaphore(%arg12 : memref<!tpu.dma_semaphore, #tpu.memory_space<semaphore_mem>>)
    %scan3A = arith.constant 0 : i32
    %scan3A_78 = arith.constant 32 : i32
    %scan3A_79 = arith.addi %scan3A, %scan3A_78 : i32
    %scan3A_80 = arith.constant 1 : i32
    %scan3A_81:4 = scf.for %scan3A_199 = %scan3A to %scan3A_79 step %scan3A_80 iter_args(%scan3A_200 = %broadcast_in_dim3A_36, %scan3A_201 = %broadcast_in_dim3A_36, %scan3A_202 = %broadcast_in_dim3A_36, %scan3A_203 = %broadcast_in_dim3A_36) -> (vector<16xf32>, vector<16xf32>, vector<16xf32>, vector<16xf32>)  : i32 {
      %add3A_204 = arith.constant 0 : i32
      %add3A_205 = arith.addi %add3A_204, %scan3A_199 : i32
      %get3A = arith.index_cast %add3A_205 : i32 to index
      %get3A_206 = arith.constant 0 : index
      %get3A_207 = tpu.vector_load %arg8[%get3A, %get3A_206] {strides = array<i32>} : memref<128x256xf32, #tpu.memory_space<vmem>>, vector<1x16xf32>,
      %get3A_208 = vector.shape_cast %get3A_207 : vector<1x16xf32> to vector<16xf32>
      %get3A_209 = arith.constant 0 : i32
      %get3A_210 = arith.index_cast %get3A_209 : i32 to index
      %get3A_211 = arith.index_cast %scan3A_199 : i32 to index
      %get3A_212 = arith.constant 0 : index
      %get3A_213 = tpu.vector_load %arg7[%get3A_210, %get3A_211, %get3A_212] {strides = array<i32>} : memref<4x32x256xf32, #tpu.memory_space<vmem>>, vector<1x1x16xf32>,
      %get3A_214 = vector.shape_cast %get3A_213 : vector<1x1x16xf32> to vector<16xf32>
      %sub3A = arith.subf %get3A_208, %get3A_214 : vector<16xf32>
      %mul3A_215 = arith.mulf %sub3A, %sub3A : vector<16xf32>
      %add3A_216 = arith.addf %scan3A_200, %mul3A_215 : vector<16xf32>
      %add3A_217 = arith.constant 0 : i32
      %add3A_218 = arith.addi %add3A_217, %scan3A_199 : i32
      %get3A_219 = arith.index_cast %add3A_218 : i32 to index
      %get3A_220 = arith.constant 16 : index
      %get3A_221 = tpu.vector_load %arg8[%get3A_219, %get3A_220] {strides = array<i32>} : memref<128x256xf32, #tpu.memory_space<vmem>>, vector<1x16xf32>,
      %get3A_222 = vector.shape_cast %get3A_221 : vector<1x16xf32> to vector<16xf32>
      %get3A_223 = arith.constant 0 : i32
      %get3A_224 = arith.index_cast %get3A_223 : i32 to index
      %get3A_225 = arith.index_cast %scan3A_199 : i32 to index
      %get3A_226 = arith.constant 16 : index
      %get3A_227 = tpu.vector_load %arg7[%get3A_224, %get3A_225, %get3A_226] {strides = array<i32>} : memref<4x32x256xf32, #tpu.memory_space<vmem>>, vector<1x1x16xf32>,
      %get3A_228 = vector.shape_cast %get3A_227 : vector<1x1x16xf32> to vector<16xf32>
      %sub3A_229 = arith.subf %get3A_222, %get3A_228 : vector<16xf32>
      %mul3A_230 = arith.mulf %sub3A_229, %sub3A_229 : vector<16xf32>
      %add3A_231 = arith.addf %scan3A_201, %mul3A_230 : vector<16xf32>
      %add3A_232 = arith.constant 0 : i32
      %add3A_233 = arith.addi %add3A_232, %scan3A_199 : i32
      %get3A_234 = arith.index_cast %add3A_233 : i32 to index
      %get3A_235 = arith.constant 32 : index
      %get3A_236 = tpu.vector_load %arg8[%get3A_234, %get3A_235] {strides = array<i32>} : memref<128x256xf32, #tpu.memory_space<vmem>>, vector<1x16xf32>,
      %get3A_237 = vector.shape_cast %get3A_236 : vector<1x16xf32> to vector<16xf32>
      %get3A_238 = arith.constant 0 : i32
      %get3A_239 = arith.index_cast %get3A_238 : i32 to index
      %get3A_240 = arith.index_cast %scan3A_199 : i32 to index
      %get3A_241 = arith.constant 32 : index
      %get3A_242 = tpu.vector_load %arg7[%get3A_239, %get3A_240, %get3A_241] {strides = array<i32>} : memref<4x32x256xf32, #tpu.memory_space<vmem>>, vector<1x1x16xf32>,
      %get3A_243 = vector.shape_cast %get3A_242 : vector<1x1x16xf32> to vector<16xf32>
      %sub3A_244 = arith.subf %get3A_237, %get3A_243 : vector<16xf32>
      %mul3A_245 = arith.mulf %sub3A_244, %sub3A_244 : vector<16xf32>
      %add3A_246 = arith.addf %scan3A_202, %mul3A_245 : vector<16xf32>
      %add3A_247 = arith.constant 0 : i32
      %add3A_248 = arith.addi %add3A_247, %scan3A_199 : i32
      %get3A_249 = arith.index_cast %add3A_248 : i32 to index
      %get3A_250 = arith.constant 48 : index
      %get3A_251 = tpu.vector_load %arg8[%get3A_249, %get3A_250] {strides = array<i32>} : memref<128x256xf32, #tpu.memory_space<vmem>>, vector<1x16xf32>,
      %get3A_252 = vector.shape_cast %get3A_251 : vector<1x16xf32> to vector<16xf32>
      %get3A_253 = arith.constant 0 : i32
      %get3A_254 = arith.index_cast %get3A_253 : i32 to index
      %get3A_255 = arith.index_cast %scan3A_199 : i32 to index
      %get3A_256 = arith.constant 48 : index
      %get3A_257 = tpu.vector_load %arg7[%get3A_254, %get3A_255, %get3A_256] {strides = array<i32>} : memref<4x32x256xf32, #tpu.memory_space<vmem>>, vector<1x1x16xf32>,
      %get3A_258 = vector.shape_cast %get3A_257 : vector<1x1x16xf32> to vector<16xf32>
      %sub3A_259 = arith.subf %get3A_252, %get3A_258 : vector<16xf32>
      %mul3A_260 = arith.mulf %sub3A_259, %sub3A_259 : vector<16xf32>
      %add3A_261 = arith.addf %scan3A_203, %mul3A_260 : vector<16xf32>
      %add3A_262 = arith.constant 0 : i32
      %add3A_263 = arith.addi %add3A_262, %scan3A_199 : i32
      %get3A_264 = arith.index_cast %add3A_263 : i32 to index
      %get3A_265 = arith.constant 64 : index
      %get3A_266 = tpu.vector_load %arg8[%get3A_264, %get3A_265] {strides = array<i32>} : memref<128x256xf32, #tpu.memory_space<vmem>>, vector<1x16xf32>,
      %get3A_267 = vector.shape_cast %get3A_266 : vector<1x16xf32> to vector<16xf32>
      %get3A_268 = arith.constant 0 : i32
      %get3A_269 = arith.index_cast %get3A_268 : i32 to index
      %get3A_270 = arith.index_cast %scan3A_199 : i32 to index
      %get3A_271 = arith.constant 64 : index
      %get3A_272 = tpu.vector_load %arg7[%get3A_269, %get3A_270, %get3A_271] {strides = array<i32>} : memref<4x32x256xf32, #tpu.memory_space<vmem>>, vector<1x1x16xf32>,
      %get3A_273 = vector.shape_cast %get3A_272 : vector<1x1x16xf32> to vector<16xf32>
      %sub3A_274 = arith.subf %get3A_267, %get3A_273 : vector<16xf32>
      %mul3A_275 = arith.mulf %sub3A_274, %sub3A_274 : vector<16xf32>
      %add3A_276 = arith.addf %add3A_216, %mul3A_275 : vector<16xf32>
      %add3A_277 = arith.constant 0 : i32
      %add3A_278 = arith.addi %add3A_277, %scan3A_199 : i32
      %get3A_279 = arith.index_cast %add3A_278 : i32 to index
      %get3A_280 = arith.constant 80 : index
      %get3A_281 = tpu.vector_load %arg8[%get3A_279, %get3A_280] {strides = array<i32>} : memref<128x256xf32, #tpu.memory_space<vmem>>, vector<1x16xf32>,
      %get3A_282 = vector.shape_cast %get3A_281 : vector<1x16xf32> to vector<16xf32>
      %get3A_283 = arith.constant 0 : i32
      %get3A_284 = arith.index_cast %get3A_283 : i32 to index
      %get3A_285 = arith.index_cast %scan3A_199 : i32 to index
      %get3A_286 = arith.constant 80 : index
      %get3A_287 = tpu.vector_load %arg7[%get3A_284, %get3A_285, %get3A_286] {strides = array<i32>} : memref<4x32x256xf32, #tpu.memory_space<vmem>>, vector<1x1x16xf32>,
      %get3A_288 = vector.shape_cast %get3A_287 : vector<1x1x16xf32> to vector<16xf32>
      %sub3A_289 = arith.subf %get3A_282, %get3A_288 : vector<16xf32>
      %mul3A_290 = arith.mulf %sub3A_289, %sub3A_289 : vector<16xf32>
      %add3A_291 = arith.addf %add3A_231, %mul3A_290 : vector<16xf32>
      %add3A_292 = arith.constant 0 : i32
      %add3A_293 = arith.addi %add3A_292, %scan3A_199 : i32
      %get3A_294 = arith.index_cast %add3A_293 : i32 to index
      %get3A_295 = arith.constant 96 : index
      %get3A_296 = tpu.vector_load %arg8[%get3A_294, %get3A_295] {strides = array<i32>} : memref<128x256xf32, #tpu.memory_space<vmem>>, vector<1x16xf32>,
      %get3A_297 = vector.shape_cast %get3A_296 : vector<1x16xf32> to vector<16xf32>
      %get3A_298 = arith.constant 0 : i32
      %get3A_299 = arith.index_cast %get3A_298 : i32 to index
      %get3A_300 = arith.index_cast %scan3A_199 : i32 to index
      %get3A_301 = arith.constant 96 : index
      %get3A_302 = tpu.vector_load %arg7[%get3A_299, %get3A_300, %get3A_301] {strides = array<i32>} : memref<4x32x256xf32, #tpu.memory_space<vmem>>, vector<1x1x16xf32>,
      %get3A_303 = vector.shape_cast %get3A_302 : vector<1x1x16xf32> to vector<16xf32>
      %sub3A_304 = arith.subf %get3A_297, %get3A_303 : vector<16xf32>
      %mul3A_305 = arith.mulf %sub3A_304, %sub3A_304 : vector<16xf32>
      %add3A_306 = arith.addf %add3A_246, %mul3A_305 : vector<16xf32>
      %add3A_307 = arith.constant 0 : i32
      %add3A_308 = arith.addi %add3A_307, %scan3A_199 : i32
      %get3A_309 = arith.index_cast %add3A_308 : i32 to index
      %get3A_310 = arith.constant 112 : index
      %get3A_311 = tpu.vector_load %arg8[%get3A_309, %get3A_310] {strides = array<i32>} : memref<128x256xf32, #tpu.memory_space<vmem>>, vector<1x16xf32>,
      %get3A_312 = vector.shape_cast %get3A_311 : vector<1x16xf32> to vector<16xf32>
      %get3A_313 = arith.constant 0 : i32
      %get3A_314 = arith.index_cast %get3A_313 : i32 to index
      %get3A_315 = arith.index_cast %scan3A_199 : i32 to index
      %get3A_316 = arith.constant 112 : index
      %get3A_317 = tpu.vector_load %arg7[%get3A_314, %get3A_315, %get3A_316] {strides = array<i32>} : memref<4x32x256xf32, #tpu.memory_space<vmem>>, vector<1x1x16xf32>,
      %get3A_318 = vector.shape_cast %get3A_317 : vector<1x1x16xf32> to vector<16xf32>
      %sub3A_319 = arith.subf %get3A_312, %get3A_318 : vector<16xf32>
      %mul3A_320 = arith.mulf %sub3A_319, %sub3A_319 : vector<16xf32>
      %add3A_321 = arith.addf %add3A_261, %mul3A_320 : vector<16xf32>
      %add3A_322 = arith.constant 0 : i32
      %add3A_323 = arith.addi %add3A_322, %scan3A_199 : i32
      %get3A_324 = arith.index_cast %add3A_323 : i32 to index
      %get3A_325 = arith.constant 128 : index
      %get3A_326 = tpu.vector_load %arg8[%get3A_324, %get3A_325] {strides = array<i32>} : memref<128x256xf32, #tpu.memory_space<vmem>>, vector<1x16xf32>,
      %get3A_327 = vector.shape_cast %get3A_326 : vector<1x16xf32> to vector<16xf32>
      %get3A_328 = arith.constant 0 : i32
      %get3A_329 = arith.index_cast %get3A_328 : i32 to index
      %get3A_330 = arith.index_cast %scan3A_199 : i32 to index
      %get3A_331 = arith.constant 128 : index
      %get3A_332 = tpu.vector_load %arg7[%get3A_329, %get3A_330, %get3A_331] {strides = array<i32>} : memref<4x32x256xf32, #tpu.memory_space<vmem>>, vector<1x1x16xf32>,
      %get3A_333 = vector.shape_cast %get3A_332 : vector<1x1x16xf32> to vector<16xf32>
      %sub3A_334 = arith.subf %get3A_327, %get3A_333 : vector<16xf32>
      %mul3A_335 = arith.mulf %sub3A_334, %sub3A_334 : vector<16xf32>
      %add3A_336 = arith.addf %add3A_276, %mul3A_335 : vector<16xf32>
      %add3A_337 = arith.constant 0 : i32
      %add3A_338 = arith.addi %add3A_337, %scan3A_199 : i32
      %get3A_339 = arith.index_cast %add3A_338 : i32 to index
      %get3A_340 = arith.constant 144 : index
      %get3A_341 = tpu.vector_load %arg8[%get3A_339, %get3A_340] {strides = array<i32>} : memref<128x256xf32, #tpu.memory_space<vmem>>, vector<1x16xf32>,
      %get3A_342 = vector.shape_cast %get3A_341 : vector<1x16xf32> to vector<16xf32>
      %get3A_343 = arith.constant 0 : i32
      %get3A_344 = arith.index_cast %get3A_343 : i32 to index
      %get3A_345 = arith.index_cast %scan3A_199 : i32 to index
      %get3A_346 = arith.constant 144 : index
      %get3A_347 = tpu.vector_load %arg7[%get3A_344, %get3A_345, %get3A_346] {strides = array<i32>} : memref<4x32x256xf32, #tpu.memory_space<vmem>>, vector<1x1x16xf32>,
      %get3A_348 = vector.shape_cast %get3A_347 : vector<1x1x16xf32> to vector<16xf32>
      %sub3A_349 = arith.subf %get3A_342, %get3A_348 : vector<16xf32>
      %mul3A_350 = arith.mulf %sub3A_349, %sub3A_349 : vector<16xf32>
      %add3A_351 = arith.addf %add3A_291, %mul3A_350 : vector<16xf32>
      %add3A_352 = arith.constant 0 : i32
      %add3A_353 = arith.addi %add3A_352, %scan3A_199 : i32
      %get3A_354 = arith.index_cast %add3A_353 : i32 to index
      %get3A_355 = arith.constant 160 : index
      %get3A_356 = tpu.vector_load %arg8[%get3A_354, %get3A_355] {strides = array<i32>} : memref<128x256xf32, #tpu.memory_space<vmem>>, vector<1x16xf32>,
      %get3A_357 = vector.shape_cast %get3A_356 : vector<1x16xf32> to vector<16xf32>
      %get3A_358 = arith.constant 0 : i32
      %get3A_359 = arith.index_cast %get3A_358 : i32 to index
      %get3A_360 = arith.index_cast %scan3A_199 : i32 to index
      %get3A_361 = arith.constant 160 : index
      %get3A_362 = tpu.vector_load %arg7[%get3A_359, %get3A_360, %get3A_361] {strides = array<i32>} : memref<4x32x256xf32, #tpu.memory_space<vmem>>, vector<1x1x16xf32>,
      %get3A_363 = vector.shape_cast %get3A_362 : vector<1x1x16xf32> to vector<16xf32>
      %sub3A_364 = arith.subf %get3A_357, %get3A_363 : vector<16xf32>
      %mul3A_365 = arith.mulf %sub3A_364, %sub3A_364 : vector<16xf32>
      %add3A_366 = arith.addf %add3A_306, %mul3A_365 : vector<16xf32>
      %add3A_367 = arith.constant 0 : i32
      %add3A_368 = arith.addi %add3A_367, %scan3A_199 : i32
      %get3A_369 = arith.index_cast %add3A_368 : i32 to index
      %get3A_370 = arith.constant 176 : index
      %get3A_371 = tpu.vector_load %arg8[%get3A_369, %get3A_370] {strides = array<i32>} : memref<128x256xf32, #tpu.memory_space<vmem>>, vector<1x16xf32>,
      %get3A_372 = vector.shape_cast %get3A_371 : vector<1x16xf32> to vector<16xf32>
      %get3A_373 = arith.constant 0 : i32
      %get3A_374 = arith.index_cast %get3A_373 : i32 to index
      %get3A_375 = arith.index_cast %scan3A_199 : i32 to index
      %get3A_376 = arith.constant 176 : index
      %get3A_377 = tpu.vector_load %arg7[%get3A_374, %get3A_375, %get3A_376] {strides = array<i32>} : memref<4x32x256xf32, #tpu.memory_space<vmem>>, vector<1x1x16xf32>,
      %get3A_378 = vector.shape_cast %get3A_377 : vector<1x1x16xf32> to vector<16xf32>
      %sub3A_379 = arith.subf %get3A_372, %get3A_378 : vector<16xf32>
      %mul3A_380 = arith.mulf %sub3A_379, %sub3A_379 : vector<16xf32>
      %add3A_381 = arith.addf %add3A_321, %mul3A_380 : vector<16xf32>
      %add3A_382 = arith.constant 0 : i32
      %add3A_383 = arith.addi %add3A_382, %scan3A_199 : i32
      %get3A_384 = arith.index_cast %add3A_383 : i32 to index
      %get3A_385 = arith.constant 192 : index
      %get3A_386 = tpu.vector_load %arg8[%get3A_384, %get3A_385] {strides = array<i32>} : memref<128x256xf32, #tpu.memory_space<vmem>>, vector<1x16xf32>,
      %get3A_387 = vector.shape_cast %get3A_386 : vector<1x16xf32> to vector<16xf32>
      %get3A_388 = arith.constant 0 : i32
      %get3A_389 = arith.index_cast %get3A_388 : i32 to index
      %get3A_390 = arith.index_cast %scan3A_199 : i32 to index
      %get3A_391 = arith.constant 192 : index
      %get3A_392 = tpu.vector_load %arg7[%get3A_389, %get3A_390, %get3A_391] {strides = array<i32>} : memref<4x32x256xf32, #tpu.memory_space<vmem>>, vector<1x1x16xf32>,
      %get3A_393 = vector.shape_cast %get3A_392 : vector<1x1x16xf32> to vector<16xf32>
      %sub3A_394 = arith.subf %get3A_387, %get3A_393 : vector<16xf32>
      %mul3A_395 = arith.mulf %sub3A_394, %sub3A_394 : vector<16xf32>
      %add3A_396 = arith.addf %add3A_336, %mul3A_395 : vector<16xf32>
      %add3A_397 = arith.constant 0 : i32
      %add3A_398 = arith.addi %add3A_397, %scan3A_199 : i32
      %get3A_399 = arith.index_cast %add3A_398 : i32 to index
      %get3A_400 = arith.constant 208 : index
      %get3A_401 = tpu.vector_load %arg8[%get3A_399, %get3A_400] {strides = array<i32>} : memref<128x256xf32, #tpu.memory_space<vmem>>, vector<1x16xf32>,
      %get3A_402 = vector.shape_cast %get3A_401 : vector<1x16xf32> to vector<16xf32>
      %get3A_403 = arith.constant 0 : i32
      %get3A_404 = arith.index_cast %get3A_403 : i32 to index
      %get3A_405 = arith.index_cast %scan3A_199 : i32 to index
      %get3A_406 = arith.constant 208 : index
      %get3A_407 = tpu.vector_load %arg7[%get3A_404, %get3A_405, %get3A_406] {strides = array<i32>} : memref<4x32x256xf32, #tpu.memory_space<vmem>>, vector<1x1x16xf32>,
      %get3A_408 = vector.shape_cast %get3A_407 : vector<1x1x16xf32> to vector<16xf32>
      %sub3A_409 = arith.subf %get3A_402, %get3A_408 : vector<16xf32>
      %mul3A_410 = arith.mulf %sub3A_409, %sub3A_409 : vector<16xf32>
      %add3A_411 = arith.addf %add3A_351, %mul3A_410 : vector<16xf32>
      %add3A_412 = arith.constant 0 : i32
      %add3A_413 = arith.addi %add3A_412, %scan3A_199 : i32
      %get3A_414 = arith.index_cast %add3A_413 : i32 to index
      %get3A_415 = arith.constant 224 : index
      %get3A_416 = tpu.vector_load %arg8[%get3A_414, %get3A_415] {strides = array<i32>} : memref<128x256xf32, #tpu.memory_space<vmem>>, vector<1x16xf32>,
      %get3A_417 = vector.shape_cast %get3A_416 : vector<1x16xf32> to vector<16xf32>
      %get3A_418 = arith.constant 0 : i32
      %get3A_419 = arith.index_cast %get3A_418 : i32 to index
      %get3A_420 = arith.index_cast %scan3A_199 : i32 to index
      %get3A_421 = arith.constant 224 : index
      %get3A_422 = tpu.vector_load %arg7[%get3A_419, %get3A_420, %get3A_421] {strides = array<i32>} : memref<4x32x256xf32, #tpu.memory_space<vmem>>, vector<1x1x16xf32>,
      %get3A_423 = vector.shape_cast %get3A_422 : vector<1x1x16xf32> to vector<16xf32>
      %sub3A_424 = arith.subf %get3A_417, %get3A_423 : vector<16xf32>
      %mul3A_425 = arith.mulf %sub3A_424, %sub3A_424 : vector<16xf32>
      %add3A_426 = arith.addf %add3A_366, %mul3A_425 : vector<16xf32>
      %add3A_427 = arith.constant 0 : i32
      %add3A_428 = arith.addi %add3A_427, %scan3A_199 : i32
      %get3A_429 = arith.index_cast %add3A_428 : i32 to index
      %get3A_430 = arith.constant 240 : index
      %get3A_431 = tpu.vector_load %arg8[%get3A_429, %get3A_430] {strides = array<i32>} : memref<128x256xf32, #tpu.memory_space<vmem>>, vector<1x16xf32>,
      %get3A_432 = vector.shape_cast %get3A_431 : vector<1x16xf32> to vector<16xf32>
      %get3A_433 = arith.constant 0 : i32
      %get3A_434 = arith.index_cast %get3A_433 : i32 to index
      %get3A_435 = arith.index_cast %scan3A_199 : i32 to index
      %get3A_436 = arith.constant 240 : index
      %get3A_437 = tpu.vector_load %arg7[%get3A_434, %get3A_435, %get3A_436] {strides = array<i32>} : memref<4x32x256xf32, #tpu.memory_space<vmem>>, vector<1x1x16xf32>,
      %get3A_438 = vector.shape_cast %get3A_437 : vector<1x1x16xf32> to vector<16xf32>
      %sub3A_439 = arith.subf %get3A_432, %get3A_438 : vector<16xf32>
      %mul3A_440 = arith.mulf %sub3A_439, %sub3A_439 : vector<16xf32>
      %add3A_441 = arith.addf %add3A_381, %mul3A_440 : vector<16xf32>
      scf.yield %add3A_396, %add3A_411, %add3A_426, %add3A_441 : vector<16xf32>, vector<16xf32>, vector<16xf32>, vector<16xf32>
    }
    %scan3A_82 = arith.constant 32 : i32
    %dma_wait3A_83 = arith.constant 1 : i32
    %dma_wait3A_84 = arith.constant 0 : i32
    %dma_wait3A_85 = arith.constant 0 : i32
    %dma_wait3A_86 = tpu.memref_slice %arg7[%dma_wait3A_83, %dma_wait3A_84, %dma_wait3A_85] : memref<4x32x256xf32, #tpu.memory_space<vmem>> -> memref<1x32x256xf32, #tpu.memory_space<vmem>>
    %dma_wait3A_87 = tpu.memref_squeeze %dma_wait3A_86 : memref<1x32x256xf32, #tpu.memory_space<vmem>> -> memref<32x256xf32, #tpu.memory_space<vmem>>
    %dma_wait3A_88 = arith.constant 32 : i32
    %dma_wait3A_89 = tpu.memref_slice %arg6[%dma_wait3A_88] : memref<128xi32, #tpu.memory_space<vmem>> -> memref<32xi32, #tpu.memory_space<vmem>>
    %dma_wait3A_90 = arith.constant 0 : i32
    %dma_wait3A_91 = arith.constant 0 : i32
    %dma_wait3A_92 = tpu.memref_slice %arg4[%dma_wait3A_90, %dma_wait3A_91] : memref<100000x256xf32, #tpu.memory_space<hbm>> -> memref<100000x256xf32, #tpu.memory_space<hbm>>
    tpu.wait_indirect_dma semaphore(%arg11 : memref<!tpu.dma_semaphore, #tpu.memory_space<semaphore_mem>>) src(%dma_wait3A_92 : memref<100000x256xf32, #tpu.memory_space<hbm>>) dst(%dma_wait3A_87 : memref<32x256xf32, #tpu.memory_space<vmem>>)
    %dma_wait3A_93 = arith.constant 32 : i32
    %dma_wait3A_94 = arith.constant 0 : i32
    %dma_wait3A_95 = tpu.memref_slice %arg8[%dma_wait3A_93, %dma_wait3A_94] : memref<128x256xf32, #tpu.memory_space<vmem>> -> memref<32x256xf32, #tpu.memory_space<vmem>>
    %dma_wait3A_96 = arith.constant 0 : i32
    %dma_wait3A_97 = tpu.memref_slice %arg2[%add3A_15, %dma_wait3A_96] : memref<4096x256xf32, #tpu.memory_space<hbm>> -> memref<32x256xf32, #tpu.memory_space<hbm>>
    %dma_wait3A_98 = arith.constant 32 : i32
    %dma_wait3A_99 = arith.constant 0 : i32
    %dma_wait3A_100 = tpu.memref_slice %arg8[%dma_wait3A_98, %dma_wait3A_99] : memref<128x256xf32, #tpu.memory_space<vmem>> -> memref<32x256xf32, #tpu.memory_space<vmem>>
    %dma_wait3A_101 = arith.constant 0 : i32
    %dma_wait3A_102 = tpu.memref_slice %arg2[%add3A_15, %dma_wait3A_101] : memref<4096x256xf32, #tpu.memory_space<hbm>> -> memref<32x256xf32, #tpu.memory_space<hbm>>
    tpu.wait_dma2 semaphore(%arg11 : memref<!tpu.dma_semaphore, #tpu.memory_space<semaphore_mem>>) src(%dma_wait3A_102 : memref<32x256xf32, #tpu.memory_space<hbm>>) dst(%dma_wait3A_100 : memref<32x256xf32, #tpu.memory_space<vmem>>)
    %dma_start3A_103 = arith.constant 2 : i32
    %dma_start3A_104 = arith.constant 0 : i32
    %dma_start3A_105 = arith.constant 0 : i32
    %dma_start3A_106 = tpu.memref_slice %arg7[%dma_start3A_103, %dma_start3A_104, %dma_start3A_105] : memref<4x32x256xf32, #tpu.memory_space<vmem>> -> memref<1x32x256xf32, #tpu.memory_space<vmem>>
    %dma_start3A_107 = tpu.memref_squeeze %dma_start3A_106 : memref<1x32x256xf32, #tpu.memory_space<vmem>> -> memref<32x256xf32, #tpu.memory_space<vmem>>
    %dma_start3A_108 = arith.constant 64 : i32
    %dma_start3A_109 = tpu.memref_slice %arg6[%dma_start3A_108] : memref<128xi32, #tpu.memory_space<vmem>> -> memref<32xi32, #tpu.memory_space<vmem>>
    %dma_start3A_110 = arith.constant 0 : i32
    %dma_start3A_111 = arith.constant 0 : i32
    %dma_start3A_112 = tpu.memref_slice %arg4[%dma_start3A_110, %dma_start3A_111] : memref<100000x256xf32, #tpu.memory_space<hbm>> -> memref<100000x256xf32, #tpu.memory_space<hbm>>
    tpu.enqueue_indirect_dma source(%dma_start3A_112 : memref<100000x256xf32, #tpu.memory_space<hbm>>) target(%dma_start3A_107 : memref<32x256xf32, #tpu.memory_space<vmem>>) offsets(%dma_start3A_109 : memref<32xi32, #tpu.memory_space<vmem>>) semaphore(%arg12 : memref<!tpu.dma_semaphore, #tpu.memory_space<semaphore_mem>>)
    %add3A_113 = arith.constant 96 : i32
    %add3A_114 = arith.addi %mul3A_2, %add3A_113 : i32
    %dma_start3A_115 = arith.constant 96 : i32
    %dma_start3A_116 = arith.constant 0 : i32
    %dma_start3A_117 = tpu.memref_slice %arg8[%dma_start3A_115, %dma_start3A_116] : memref<128x256xf32, #tpu.memory_space<vmem>> -> memref<32x256xf32, #tpu.memory_space<vmem>>
    %dma_start3A_118 = arith.constant 0 : i32
    %dma_start3A_119 = tpu.memref_slice %arg2[%add3A_114, %dma_start3A_118] : memref<4096x256xf32, #tpu.memory_space<hbm>> -> memref<32x256xf32, #tpu.memory_space<hbm>>
    %dma_start3A_120 = arith.constant 96 : i32
    %dma_start3A_121 = arith.constant 0 : i32
    %dma_start3A_122 = tpu.memref_slice %arg8[%dma_start3A_120, %dma_start3A_121] : memref<128x256xf32, #tpu.memory_space<vmem>> -> memref<32x256xf32, #tpu.memory_space<vmem>>
    %dma_start3A_123 = arith.constant 0 : i32
    %dma_start3A_124 = tpu.memref_slice %arg2[%add3A_114, %dma_start3A_123] : memref<4096x256xf32, #tpu.memory_space<hbm>> -> memref<32x256xf32, #tpu.memory_space<hbm>>
    tpu.enqueue_dma source(%dma_start3A_124 : memref<32x256xf32, #tpu.memory_space<hbm>>) target(%dma_start3A_122 : memref<32x256xf32, #tpu.memory_space<vmem>>) target_semaphore(%arg13 : memref<!tpu.dma_semaphore, #tpu.memory_space<semaphore_mem>>)
    %scan3A_125 = arith.constant 0 : i32
    %scan3A_126 = arith.constant 32 : i32
    %scan3A_127 = arith.addi %scan3A_125, %scan3A_126 : i32
    %scan3A_128 = arith.constant 1 : i32
    %scan3A_129:4 = scf.for %scan3A_199 = %scan3A_125 to %scan3A_127 step %scan3A_128 iter_args(%scan3A_200 = %scan3A_81#0, %scan3A_201 = %scan3A_81#1, %scan3A_202 = %scan3A_81#2, %scan3A_203 = %scan3A_81#3) -> (vector<16xf32>, vector<16xf32>, vector<16xf32>, vector<16xf32>)  : i32 {
      %add3A_204 = arith.constant 32 : i32
      %add3A_205 = arith.addi %add3A_204, %scan3A_199 : i32
      %get3A = arith.index_cast %add3A_205 : i32 to index
      %get3A_206 = arith.constant 0 : index
      %get3A_207 = tpu.vector_load %arg8[%get3A, %get3A_206] {strides = array<i32>} : memref<128x256xf32, #tpu.memory_space<vmem>>, vector<1x16xf32>,
      %get3A_208 = vector.shape_cast %get3A_207 : vector<1x16xf32> to vector<16xf32>
      %get3A_209 = arith.constant 1 : i32
      %get3A_210 = arith.index_cast %get3A_209 : i32 to index
      %get3A_211 = arith.index_cast %scan3A_199 : i32 to index
      %get3A_212 = arith.constant 0 : index
      %get3A_213 = tpu.vector_load %arg7[%get3A_210, %get3A_211, %get3A_212] {strides = array<i32>} : memref<4x32x256xf32, #tpu.memory_space<vmem>>, vector<1x1x16xf32>,
      %get3A_214 = vector.shape_cast %get3A_213 : vector<1x1x16xf32> to vector<16xf32>
      %sub3A = arith.subf %get3A_208, %get3A_214 : vector<16xf32>
      %mul3A_215 = arith.mulf %sub3A, %sub3A : vector<16xf32>
      %add3A_216 = arith.addf %scan3A_200, %mul3A_215 : vector<16xf32>
      %add3A_217 = arith.constant 32 : i32
      %add3A_218 = arith.addi %add3A_217, %scan3A_199 : i32
      %get3A_219 = arith.index_cast %add3A_218 : i32 to index
      %get3A_220 = arith.constant 16 : index
      %get3A_221 = tpu.vector_load %arg8[%get3A_219, %get3A_220] {strides = array<i32>} : memref<128x256xf32, #tpu.memory_space<vmem>>, vector<1x16xf32>,
      %get3A_222 = vector.shape_cast %get3A_221 : vector<1x16xf32> to vector<16xf32>
      %get3A_223 = arith.constant 1 : i32
      %get3A_224 = arith.index_cast %get3A_223 : i32 to index
      %get3A_225 = arith.index_cast %scan3A_199 : i32 to index
      %get3A_226 = arith.constant 16 : index
      %get3A_227 = tpu.vector_load %arg7[%get3A_224, %get3A_225, %get3A_226] {strides = array<i32>} : memref<4x32x256xf32, #tpu.memory_space<vmem>>, vector<1x1x16xf32>,
      %get3A_228 = vector.shape_cast %get3A_227 : vector<1x1x16xf32> to vector<16xf32>
      %sub3A_229 = arith.subf %get3A_222, %get3A_228 : vector<16xf32>
      %mul3A_230 = arith.mulf %sub3A_229, %sub3A_229 : vector<16xf32>
      %add3A_231 = arith.addf %scan3A_201, %mul3A_230 : vector<16xf32>
      %add3A_232 = arith.constant 32 : i32
      %add3A_233 = arith.addi %add3A_232, %scan3A_199 : i32
      %get3A_234 = arith.index_cast %add3A_233 : i32 to index
      %get3A_235 = arith.constant 32 : index
      %get3A_236 = tpu.vector_load %arg8[%get3A_234, %get3A_235] {strides = array<i32>} : memref<128x256xf32, #tpu.memory_space<vmem>>, vector<1x16xf32>,
      %get3A_237 = vector.shape_cast %get3A_236 : vector<1x16xf32> to vector<16xf32>
      %get3A_238 = arith.constant 1 : i32
      %get3A_239 = arith.index_cast %get3A_238 : i32 to index
      %get3A_240 = arith.index_cast %scan3A_199 : i32 to index
      %get3A_241 = arith.constant 32 : index
      %get3A_242 = tpu.vector_load %arg7[%get3A_239, %get3A_240, %get3A_241] {strides = array<i32>} : memref<4x32x256xf32, #tpu.memory_space<vmem>>, vector<1x1x16xf32>,
      %get3A_243 = vector.shape_cast %get3A_242 : vector<1x1x16xf32> to vector<16xf32>
      %sub3A_244 = arith.subf %get3A_237, %get3A_243 : vector<16xf32>
      %mul3A_245 = arith.mulf %sub3A_244, %sub3A_244 : vector<16xf32>
      %add3A_246 = arith.addf %scan3A_202, %mul3A_245 : vector<16xf32>
      %add3A_247 = arith.constant 32 : i32
      %add3A_248 = arith.addi %add3A_247, %scan3A_199 : i32
      %get3A_249 = arith.index_cast %add3A_248 : i32 to index
      %get3A_250 = arith.constant 48 : index
      %get3A_251 = tpu.vector_load %arg8[%get3A_249, %get3A_250] {strides = array<i32>} : memref<128x256xf32, #tpu.memory_space<vmem>>, vector<1x16xf32>,
      %get3A_252 = vector.shape_cast %get3A_251 : vector<1x16xf32> to vector<16xf32>
      %get3A_253 = arith.constant 1 : i32
      %get3A_254 = arith.index_cast %get3A_253 : i32 to index
      %get3A_255 = arith.index_cast %scan3A_199 : i32 to index
      %get3A_256 = arith.constant 48 : index
      %get3A_257 = tpu.vector_load %arg7[%get3A_254, %get3A_255, %get3A_256] {strides = array<i32>} : memref<4x32x256xf32, #tpu.memory_space<vmem>>, vector<1x1x16xf32>,
      %get3A_258 = vector.shape_cast %get3A_257 : vector<1x1x16xf32> to vector<16xf32>
      %sub3A_259 = arith.subf %get3A_252, %get3A_258 : vector<16xf32>
      %mul3A_260 = arith.mulf %sub3A_259, %sub3A_259 : vector<16xf32>
      %add3A_261 = arith.addf %scan3A_203, %mul3A_260 : vector<16xf32>
      %add3A_262 = arith.constant 32 : i32
      %add3A_263 = arith.addi %add3A_262, %scan3A_199 : i32
      %get3A_264 = arith.index_cast %add3A_263 : i32 to index
      %get3A_265 = arith.constant 64 : index
      %get3A_266 = tpu.vector_load %arg8[%get3A_264, %get3A_265] {strides = array<i32>} : memref<128x256xf32, #tpu.memory_space<vmem>>, vector<1x16xf32>,
      %get3A_267 = vector.shape_cast %get3A_266 : vector<1x16xf32> to vector<16xf32>
      %get3A_268 = arith.constant 1 : i32
      %get3A_269 = arith.index_cast %get3A_268 : i32 to index
      %get3A_270 = arith.index_cast %scan3A_199 : i32 to index
      %get3A_271 = arith.constant 64 : index
      %get3A_272 = tpu.vector_load %arg7[%get3A_269, %get3A_270, %get3A_271] {strides = array<i32>} : memref<4x32x256xf32, #tpu.memory_space<vmem>>, vector<1x1x16xf32>,
      %get3A_273 = vector.shape_cast %get3A_272 : vector<1x1x16xf32> to vector<16xf32>
      %sub3A_274 = arith.subf %get3A_267, %get3A_273 : vector<16xf32>
      %mul3A_275 = arith.mulf %sub3A_274, %sub3A_274 : vector<16xf32>
      %add3A_276 = arith.addf %add3A_216, %mul3A_275 : vector<16xf32>
      %add3A_277 = arith.constant 32 : i32
      %add3A_278 = arith.addi %add3A_277, %scan3A_199 : i32
      %get3A_279 = arith.index_cast %add3A_278 : i32 to index
      %get3A_280 = arith.constant 80 : index
      %get3A_281 = tpu.vector_load %arg8[%get3A_279, %get3A_280] {strides = array<i32>} : memref<128x256xf32, #tpu.memory_space<vmem>>, vector<1x16xf32>,
      %get3A_282 = vector.shape_cast %get3A_281 : vector<1x16xf32> to vector<16xf32>
      %get3A_283 = arith.constant 1 : i32
      %get3A_284 = arith.index_cast %get3A_283 : i32 to index
      %get3A_285 = arith.index_cast %scan3A_199 : i32 to index
      %get3A_286 = arith.constant 80 : index
      %get3A_287 = tpu.vector_load %arg7[%get3A_284, %get3A_285, %get3A_286] {strides = array<i32>} : memref<4x32x256xf32, #tpu.memory_space<vmem>>, vector<1x1x16xf32>,
      %get3A_288 = vector.shape_cast %get3A_287 : vector<1x1x16xf32> to vector<16xf32>
      %sub3A_289 = arith.subf %get3A_282, %get3A_288 : vector<16xf32>
      %mul3A_290 = arith.mulf %sub3A_289, %sub3A_289 : vector<16xf32>
      %add3A_291 = arith.addf %add3A_231, %mul3A_290 : vector<16xf32>
      %add3A_292 = arith.constant 32 : i32
      %add3A_293 = arith.addi %add3A_292, %scan3A_199 : i32
      %get3A_294 = arith.index_cast %add3A_293 : i32 to index
      %get3A_295 = arith.constant 96 : index
      %get3A_296 = tpu.vector_load %arg8[%get3A_294, %get3A_295] {strides = array<i32>} : memref<128x256xf32, #tpu.memory_space<vmem>>, vector<1x16xf32>,
      %get3A_297 = vector.shape_cast %get3A_296 : vector<1x16xf32> to vector<16xf32>
      %get3A_298 = arith.constant 1 : i32
      %get3A_299 = arith.index_cast %get3A_298 : i32 to index
      %get3A_300 = arith.index_cast %scan3A_199 : i32 to index
      %get3A_301 = arith.constant 96 : index
      %get3A_302 = tpu.vector_load %arg7[%get3A_299, %get3A_300, %get3A_301] {strides = array<i32>} : memref<4x32x256xf32, #tpu.memory_space<vmem>>, vector<1x1x16xf32>,
      %get3A_303 = vector.shape_cast %get3A_302 : vector<1x1x16xf32> to vector<16xf32>
      %sub3A_304 = arith.subf %get3A_297, %get3A_303 : vector<16xf32>
      %mul3A_305 = arith.mulf %sub3A_304, %sub3A_304 : vector<16xf32>
      %add3A_306 = arith.addf %add3A_246, %mul3A_305 : vector<16xf32>
      %add3A_307 = arith.constant 32 : i32
      %add3A_308 = arith.addi %add3A_307, %scan3A_199 : i32
      %get3A_309 = arith.index_cast %add3A_308 : i32 to index
      %get3A_310 = arith.constant 112 : index
      %get3A_311 = tpu.vector_load %arg8[%get3A_309, %get3A_310] {strides = array<i32>} : memref<128x256xf32, #tpu.memory_space<vmem>>, vector<1x16xf32>,
      %get3A_312 = vector.shape_cast %get3A_311 : vector<1x16xf32> to vector<16xf32>
      %get3A_313 = arith.constant 1 : i32
      %get3A_314 = arith.index_cast %get3A_313 : i32 to index
      %get3A_315 = arith.index_cast %scan3A_199 : i32 to index
      %get3A_316 = arith.constant 112 : index
      %get3A_317 = tpu.vector_load %arg7[%get3A_314, %get3A_315, %get3A_316] {strides = array<i32>} : memref<4x32x256xf32, #tpu.memory_space<vmem>>, vector<1x1x16xf32>,
      %get3A_318 = vector.shape_cast %get3A_317 : vector<1x1x16xf32> to vector<16xf32>
      %sub3A_319 = arith.subf %get3A_312, %get3A_318 : vector<16xf32>
      %mul3A_320 = arith.mulf %sub3A_319, %sub3A_319 : vector<16xf32>
      %add3A_321 = arith.addf %add3A_261, %mul3A_320 : vector<16xf32>
      %add3A_322 = arith.constant 32 : i32
      %add3A_323 = arith.addi %add3A_322, %scan3A_199 : i32
      %get3A_324 = arith.index_cast %add3A_323 : i32 to index
      %get3A_325 = arith.constant 128 : index
      %get3A_326 = tpu.vector_load %arg8[%get3A_324, %get3A_325] {strides = array<i32>} : memref<128x256xf32, #tpu.memory_space<vmem>>, vector<1x16xf32>,
      %get3A_327 = vector.shape_cast %get3A_326 : vector<1x16xf32> to vector<16xf32>
      %get3A_328 = arith.constant 1 : i32
      %get3A_329 = arith.index_cast %get3A_328 : i32 to index
      %get3A_330 = arith.index_cast %scan3A_199 : i32 to index
      %get3A_331 = arith.constant 128 : index
      %get3A_332 = tpu.vector_load %arg7[%get3A_329, %get3A_330, %get3A_331] {strides = array<i32>} : memref<4x32x256xf32, #tpu.memory_space<vmem>>, vector<1x1x16xf32>,
      %get3A_333 = vector.shape_cast %get3A_332 : vector<1x1x16xf32> to vector<16xf32>
      %sub3A_334 = arith.subf %get3A_327, %get3A_333 : vector<16xf32>
      %mul3A_335 = arith.mulf %sub3A_334, %sub3A_334 : vector<16xf32>
      %add3A_336 = arith.addf %add3A_276, %mul3A_335 : vector<16xf32>
      %add3A_337 = arith.constant 32 : i32
      %add3A_338 = arith.addi %add3A_337, %scan3A_199 : i32
      %get3A_339 = arith.index_cast %add3A_338 : i32 to index
      %get3A_340 = arith.constant 144 : index
      %get3A_341 = tpu.vector_load %arg8[%get3A_339, %get3A_340] {strides = array<i32>} : memref<128x256xf32, #tpu.memory_space<vmem>>, vector<1x16xf32>,
      %get3A_342 = vector.shape_cast %get3A_341 : vector<1x16xf32> to vector<16xf32>
      %get3A_343 = arith.constant 1 : i32
      %get3A_344 = arith.index_cast %get3A_343 : i32 to index
      %get3A_345 = arith.index_cast %scan3A_199 : i32 to index
      %get3A_346 = arith.constant 144 : index
      %get3A_347 = tpu.vector_load %arg7[%get3A_344, %get3A_345, %get3A_346] {strides = array<i32>} : memref<4x32x256xf32, #tpu.memory_space<vmem>>, vector<1x1x16xf32>,
      %get3A_348 = vector.shape_cast %get3A_347 : vector<1x1x16xf32> to vector<16xf32>
      %sub3A_349 = arith.subf %get3A_342, %get3A_348 : vector<16xf32>
      %mul3A_350 = arith.mulf %sub3A_349, %sub3A_349 : vector<16xf32>
      %add3A_351 = arith.addf %add3A_291, %mul3A_350 : vector<16xf32>
      %add3A_352 = arith.constant 32 : i32
      %add3A_353 = arith.addi %add3A_352, %scan3A_199 : i32
      %get3A_354 = arith.index_cast %add3A_353 : i32 to index
      %get3A_355 = arith.constant 160 : index
      %get3A_356 = tpu.vector_load %arg8[%get3A_354, %get3A_355] {strides = array<i32>} : memref<128x256xf32, #tpu.memory_space<vmem>>, vector<1x16xf32>,
      %get3A_357 = vector.shape_cast %get3A_356 : vector<1x16xf32> to vector<16xf32>
      %get3A_358 = arith.constant 1 : i32
      %get3A_359 = arith.index_cast %get3A_358 : i32 to index
      %get3A_360 = arith.index_cast %scan3A_199 : i32 to index
      %get3A_361 = arith.constant 160 : index
      %get3A_362 = tpu.vector_load %arg7[%get3A_359, %get3A_360, %get3A_361] {strides = array<i32>} : memref<4x32x256xf32, #tpu.memory_space<vmem>>, vector<1x1x16xf32>,
      %get3A_363 = vector.shape_cast %get3A_362 : vector<1x1x16xf32> to vector<16xf32>
      %sub3A_364 = arith.subf %get3A_357, %get3A_363 : vector<16xf32>
      %mul3A_365 = arith.mulf %sub3A_364, %sub3A_364 : vector<16xf32>
      %add3A_366 = arith.addf %add3A_306, %mul3A_365 : vector<16xf32>
      %add3A_367 = arith.constant 32 : i32
      %add3A_368 = arith.addi %add3A_367, %scan3A_199 : i32
      %get3A_369 = arith.index_cast %add3A_368 : i32 to index
      %get3A_370 = arith.constant 176 : index
      %get3A_371 = tpu.vector_load %arg8[%get3A_369, %get3A_370] {strides = array<i32>} : memref<128x256xf32, #tpu.memory_space<vmem>>, vector<1x16xf32>,
      %get3A_372 = vector.shape_cast %get3A_371 : vector<1x16xf32> to vector<16xf32>
      %get3A_373 = arith.constant 1 : i32
      %get3A_374 = arith.index_cast %get3A_373 : i32 to index
      %get3A_375 = arith.index_cast %scan3A_199 : i32 to index
      %get3A_376 = arith.constant 176 : index
      %get3A_377 = tpu.vector_load %arg7[%get3A_374, %get3A_375, %get3A_376] {strides = array<i32>} : memref<4x32x256xf32, #tpu.memory_space<vmem>>, vector<1x1x16xf32>,
      %get3A_378 = vector.shape_cast %get3A_377 : vector<1x1x16xf32> to vector<16xf32>
      %sub3A_379 = arith.subf %get3A_372, %get3A_378 : vector<16xf32>
      %mul3A_380 = arith.mulf %sub3A_379, %sub3A_379 : vector<16xf32>
      %add3A_381 = arith.addf %add3A_321, %mul3A_380 : vector<16xf32>
      %add3A_382 = arith.constant 32 : i32
      %add3A_383 = arith.addi %add3A_382, %scan3A_199 : i32
      %get3A_384 = arith.index_cast %add3A_383 : i32 to index
      %get3A_385 = arith.constant 192 : index
      %get3A_386 = tpu.vector_load %arg8[%get3A_384, %get3A_385] {strides = array<i32>} : memref<128x256xf32, #tpu.memory_space<vmem>>, vector<1x16xf32>,
      %get3A_387 = vector.shape_cast %get3A_386 : vector<1x16xf32> to vector<16xf32>
      %get3A_388 = arith.constant 1 : i32
      %get3A_389 = arith.index_cast %get3A_388 : i32 to index
      %get3A_390 = arith.index_cast %scan3A_199 : i32 to index
      %get3A_391 = arith.constant 192 : index
      %get3A_392 = tpu.vector_load %arg7[%get3A_389, %get3A_390, %get3A_391] {strides = array<i32>} : memref<4x32x256xf32, #tpu.memory_space<vmem>>, vector<1x1x16xf32>,
      %get3A_393 = vector.shape_cast %get3A_392 : vector<1x1x16xf32> to vector<16xf32>
      %sub3A_394 = arith.subf %get3A_387, %get3A_393 : vector<16xf32>
      %mul3A_395 = arith.mulf %sub3A_394, %sub3A_394 : vector<16xf32>
      %add3A_396 = arith.addf %add3A_336, %mul3A_395 : vector<16xf32>
      %add3A_397 = arith.constant 32 : i32
      %add3A_398 = arith.addi %add3A_397, %scan3A_199 : i32
      %get3A_399 = arith.index_cast %add3A_398 : i32 to index
      %get3A_400 = arith.constant 208 : index
      %get3A_401 = tpu.vector_load %arg8[%get3A_399, %get3A_400] {strides = array<i32>} : memref<128x256xf32, #tpu.memory_space<vmem>>, vector<1x16xf32>,
      %get3A_402 = vector.shape_cast %get3A_401 : vector<1x16xf32> to vector<16xf32>
      %get3A_403 = arith.constant 1 : i32
      %get3A_404 = arith.index_cast %get3A_403 : i32 to index
      %get3A_405 = arith.index_cast %scan3A_199 : i32 to index
      %get3A_406 = arith.constant 208 : index
      %get3A_407 = tpu.vector_load %arg7[%get3A_404, %get3A_405, %get3A_406] {strides = array<i32>} : memref<4x32x256xf32, #tpu.memory_space<vmem>>, vector<1x1x16xf32>,
      %get3A_408 = vector.shape_cast %get3A_407 : vector<1x1x16xf32> to vector<16xf32>
      %sub3A_409 = arith.subf %get3A_402, %get3A_408 : vector<16xf32>
      %mul3A_410 = arith.mulf %sub3A_409, %sub3A_409 : vector<16xf32>
      %add3A_411 = arith.addf %add3A_351, %mul3A_410 : vector<16xf32>
      %add3A_412 = arith.constant 32 : i32
      %add3A_413 = arith.addi %add3A_412, %scan3A_199 : i32
      %get3A_414 = arith.index_cast %add3A_413 : i32 to index
      %get3A_415 = arith.constant 224 : index
      %get3A_416 = tpu.vector_load %arg8[%get3A_414, %get3A_415] {strides = array<i32>} : memref<128x256xf32, #tpu.memory_space<vmem>>, vector<1x16xf32>,
      %get3A_417 = vector.shape_cast %get3A_416 : vector<1x16xf32> to vector<16xf32>
      %get3A_418 = arith.constant 1 : i32
      %get3A_419 = arith.index_cast %get3A_418 : i32 to index
      %get3A_420 = arith.index_cast %scan3A_199 : i32 to index
      %get3A_421 = arith.constant 224 : index
      %get3A_422 = tpu.vector_load %arg7[%get3A_419, %get3A_420, %get3A_421] {strides = array<i32>} : memref<4x32x256xf32, #tpu.memory_space<vmem>>, vector<1x1x16xf32>,
      %get3A_423 = vector.shape_cast %get3A_422 : vector<1x1x16xf32> to vector<16xf32>
      %sub3A_424 = arith.subf %get3A_417, %get3A_423 : vector<16xf32>
      %mul3A_425 = arith.mulf %sub3A_424, %sub3A_424 : vector<16xf32>
      %add3A_426 = arith.addf %add3A_366, %mul3A_425 : vector<16xf32>
      %add3A_427 = arith.constant 32 : i32
      %add3A_428 = arith.addi %add3A_427, %scan3A_199 : i32
      %get3A_429 = arith.index_cast %add3A_428 : i32 to index
      %get3A_430 = arith.constant 240 : index
      %get3A_431 = tpu.vector_load %arg8[%get3A_429, %get3A_430] {strides = array<i32>} : memref<128x256xf32, #tpu.memory_space<vmem>>, vector<1x16xf32>,
      %get3A_432 = vector.shape_cast %get3A_431 : vector<1x16xf32> to vector<16xf32>
      %get3A_433 = arith.constant 1 : i32
      %get3A_434 = arith.index_cast %get3A_433 : i32 to index
      %get3A_435 = arith.index_cast %scan3A_199 : i32 to index
      %get3A_436 = arith.constant 240 : index
      %get3A_437 = tpu.vector_load %arg7[%get3A_434, %get3A_435, %get3A_436] {strides = array<i32>} : memref<4x32x256xf32, #tpu.memory_space<vmem>>, vector<1x1x16xf32>,
      %get3A_438 = vector.shape_cast %get3A_437 : vector<1x1x16xf32> to vector<16xf32>
      %sub3A_439 = arith.subf %get3A_432, %get3A_438 : vector<16xf32>
      %mul3A_440 = arith.mulf %sub3A_439, %sub3A_439 : vector<16xf32>
      %add3A_441 = arith.addf %add3A_381, %mul3A_440 : vector<16xf32>
      scf.yield %add3A_396, %add3A_411, %add3A_426, %add3A_441 : vector<16xf32>, vector<16xf32>, vector<16xf32>, vector<16xf32>
    }
    %scan3A_130 = arith.constant 32 : i32
    %dma_wait3A_131 = arith.constant 2 : i32
    %dma_wait3A_132 = arith.constant 0 : i32
    %dma_wait3A_133 = arith.constant 0 : i32
    %dma_wait3A_134 = tpu.memref_slice %arg7[%dma_wait3A_131, %dma_wait3A_132, %dma_wait3A_133] : memref<4x32x256xf32, #tpu.memory_space<vmem>> -> memref<1x32x256xf32, #tpu.memory_space<vmem>>
    %dma_wait3A_135 = tpu.memref_squeeze %dma_wait3A_134 : memref<1x32x256xf32, #tpu.memory_space<vmem>> -> memref<32x256xf32, #tpu.memory_space<vmem>>
    %dma_wait3A_136 = arith.constant 64 : i32
    %dma_wait3A_137 = tpu.memref_slice %arg6[%dma_wait3A_136] : memref<128xi32, #tpu.memory_space<vmem>> -> memref<32xi32, #tpu.memory_space<vmem>>
    %dma_wait3A_138 = arith.constant 0 : i32
    %dma_wait3A_139 = arith.constant 0 : i32
    %dma_wait3A_140 = tpu.memref_slice %arg4[%dma_wait3A_138, %dma_wait3A_139] : memref<100000x256xf32, #tpu.memory_space<hbm>> -> memref<100000x256xf32, #tpu.memory_space<hbm>>
    tpu.wait_indirect_dma semaphore(%arg12 : memref<!tpu.dma_semaphore, #tpu.memory_space<semaphore_mem>>) src(%dma_wait3A_140 : memref<100000x256xf32, #tpu.memory_space<hbm>>) dst(%dma_wait3A_135 : memref<32x256xf32, #tpu.memory_space<vmem>>)
    %dma_wait3A_141 = arith.constant 64 : i32
    %dma_wait3A_142 = arith.constant 0 : i32
    %dma_wait3A_143 = tpu.memref_slice %arg8[%dma_wait3A_141, %dma_wait3A_142] : memref<128x256xf32, #tpu.memory_space<vmem>> -> memref<32x256xf32, #tpu.memory_space<vmem>>
    %dma_wait3A_144 = arith.constant 0 : i32
    %dma_wait3A_145 = tpu.memref_slice %arg2[%add3A_67, %dma_wait3A_144] : memref<4096x256xf32, #tpu.memory_space<hbm>> -> memref<32x256xf32, #tpu.memory_space<hbm>>
    %dma_wait3A_146 = arith.constant 64 : i32
    %dma_wait3A_147 = arith.constant 0 : i32
    %dma_wait3A_148 = tpu.memref_slice %arg8[%dma_wait3A_146, %dma_wait3A_147] : memref<128x256xf32, #tpu.memory_space<vmem>> -> memref<32x256xf32, #tpu.memory_space<vmem>>
    %dma_wait3A_149 = arith.constant 0 : i32
    %dma_wait3A_150 = tpu.memref_slice %arg2[%add3A_67, %dma_wait3A_149] : memref<4096x256xf32, #tpu.memory_space<hbm>> -> memref<32x256xf32, #tpu.memory_space<hbm>>
    tpu.wait_dma2 semaphore(%arg12 : memref<!tpu.dma_semaphore, #tpu.memory_space<semaphore_mem>>) src(%dma_wait3A_150 : memref<32x256xf32, #tpu.memory_space<hbm>>) dst(%dma_wait3A_148 : memref<32x256xf32, #tpu.memory_space<vmem>>)
    %dma_start3A_151 = arith.constant 3 : i32
    %dma_start3A_152 = arith.constant 0 : i32
    %dma_start3A_153 = arith.constant 0 : i32
    %dma_start3A_154 = tpu.memref_slice %arg7[%dma_start3A_151, %dma_start3A_152, %dma_start3A_153] : memref<4x32x256xf32, #tpu.memory_space<vmem>> -> memref<1x32x256xf32, #tpu.memory_space<vmem>>
    %dma_start3A_155 = tpu.memref_squeeze %dma_start3A_154 : memref<1x32x256xf32, #tpu.memory_space<vmem>> -> memref<32x256xf32, #tpu.memory_space<vmem>>
    %dma_start3A_156 = arith.constant 96 : i32
    %dma_start3A_157 = tpu.memref_slice %arg6[%dma_start3A_156] : memref<128xi32, #tpu.memory_space<vmem>> -> memref<32xi32, #tpu.memory_space<vmem>>
    %dma_start3A_158 = arith.constant 0 : i32
    %dma_start3A_159 = arith.constant 0 : i32
    %dma_start3A_160 = tpu.memref_slice %arg4[%dma_start3A_158, %dma_start3A_159] : memref<100000x256xf32, #tpu.memory_space<hbm>> -> memref<100000x256xf32, #tpu.memory_space<hbm>>
    tpu.enqueue_indirect_dma source(%dma_start3A_160 : memref<100000x256xf32, #tpu.memory_space<hbm>>) target(%dma_start3A_155 : memref<32x256xf32, #tpu.memory_space<vmem>>) offsets(%dma_start3A_157 : memref<32xi32, #tpu.memory_space<vmem>>) semaphore(%arg13 : memref<!tpu.dma_semaphore, #tpu.memory_space<semaphore_mem>>)
    %scan3A_161 = arith.constant 0 : i32
    %scan3A_162 = arith.constant 32 : i32
    %scan3A_163 = arith.addi %scan3A_161, %scan3A_162 : i32
    %scan3A_164 = arith.constant 1 : i32
    %scan3A_165:4 = scf.for %scan3A_199 = %scan3A_161 to %scan3A_163 step %scan3A_164 iter_args(%scan3A_200 = %scan3A_129#0, %scan3A_201 = %scan3A_129#1, %scan3A_202 = %scan3A_129#2, %scan3A_203 = %scan3A_129#3) -> (vector<16xf32>, vector<16xf32>, vector<16xf32>, vector<16xf32>)  : i32 {
      %add3A_204 = arith.constant 64 : i32
      %add3A_205 = arith.addi %add3A_204, %scan3A_199 : i32
      %get3A = arith.index_cast %add3A_205 : i32 to index
      %get3A_206 = arith.constant 0 : index
      %get3A_207 = tpu.vector_load %arg8[%get3A, %get3A_206] {strides = array<i32>} : memref<128x256xf32, #tpu.memory_space<vmem>>, vector<1x16xf32>,
      %get3A_208 = vector.shape_cast %get3A_207 : vector<1x16xf32> to vector<16xf32>
      %get3A_209 = arith.constant 2 : i32
      %get3A_210 = arith.index_cast %get3A_209 : i32 to index
      %get3A_211 = arith.index_cast %scan3A_199 : i32 to index
      %get3A_212 = arith.constant 0 : index
      %get3A_213 = tpu.vector_load %arg7[%get3A_210, %get3A_211, %get3A_212] {strides = array<i32>} : memref<4x32x256xf32, #tpu.memory_space<vmem>>, vector<1x1x16xf32>,
      %get3A_214 = vector.shape_cast %get3A_213 : vector<1x1x16xf32> to vector<16xf32>
      %sub3A = arith.subf %get3A_208, %get3A_214 : vector<16xf32>
      %mul3A_215 = arith.mulf %sub3A, %sub3A : vector<16xf32>
      %add3A_216 = arith.addf %scan3A_200, %mul3A_215 : vector<16xf32>
      %add3A_217 = arith.constant 64 : i32
      %add3A_218 = arith.addi %add3A_217, %scan3A_199 : i32
      %get3A_219 = arith.index_cast %add3A_218 : i32 to index
      %get3A_220 = arith.constant 16 : index
      %get3A_221 = tpu.vector_load %arg8[%get3A_219, %get3A_220] {strides = array<i32>} : memref<128x256xf32, #tpu.memory_space<vmem>>, vector<1x16xf32>,
      %get3A_222 = vector.shape_cast %get3A_221 : vector<1x16xf32> to vector<16xf32>
      %get3A_223 = arith.constant 2 : i32
      %get3A_224 = arith.index_cast %get3A_223 : i32 to index
      %get3A_225 = arith.index_cast %scan3A_199 : i32 to index
      %get3A_226 = arith.constant 16 : index
      %get3A_227 = tpu.vector_load %arg7[%get3A_224, %get3A_225, %get3A_226] {strides = array<i32>} : memref<4x32x256xf32, #tpu.memory_space<vmem>>, vector<1x1x16xf32>,
      %get3A_228 = vector.shape_cast %get3A_227 : vector<1x1x16xf32> to vector<16xf32>
      %sub3A_229 = arith.subf %get3A_222, %get3A_228 : vector<16xf32>
      %mul3A_230 = arith.mulf %sub3A_229, %sub3A_229 : vector<16xf32>
      %add3A_231 = arith.addf %scan3A_201, %mul3A_230 : vector<16xf32>
      %add3A_232 = arith.constant 64 : i32
      %add3A_233 = arith.addi %add3A_232, %scan3A_199 : i32
      %get3A_234 = arith.index_cast %add3A_233 : i32 to index
      %get3A_235 = arith.constant 32 : index
      %get3A_236 = tpu.vector_load %arg8[%get3A_234, %get3A_235] {strides = array<i32>} : memref<128x256xf32, #tpu.memory_space<vmem>>, vector<1x16xf32>,
      %get3A_237 = vector.shape_cast %get3A_236 : vector<1x16xf32> to vector<16xf32>
      %get3A_238 = arith.constant 2 : i32
      %get3A_239 = arith.index_cast %get3A_238 : i32 to index
      %get3A_240 = arith.index_cast %scan3A_199 : i32 to index
      %get3A_241 = arith.constant 32 : index
      %get3A_242 = tpu.vector_load %arg7[%get3A_239, %get3A_240, %get3A_241] {strides = array<i32>} : memref<4x32x256xf32, #tpu.memory_space<vmem>>, vector<1x1x16xf32>,
      %get3A_243 = vector.shape_cast %get3A_242 : vector<1x1x16xf32> to vector<16xf32>
      %sub3A_244 = arith.subf %get3A_237, %get3A_243 : vector<16xf32>
      %mul3A_245 = arith.mulf %sub3A_244, %sub3A_244 : vector<16xf32>
      %add3A_246 = arith.addf %scan3A_202, %mul3A_245 : vector<16xf32>
      %add3A_247 = arith.constant 64 : i32
      %add3A_248 = arith.addi %add3A_247, %scan3A_199 : i32
      %get3A_249 = arith.index_cast %add3A_248 : i32 to index
      %get3A_250 = arith.constant 48 : index
      %get3A_251 = tpu.vector_load %arg8[%get3A_249, %get3A_250] {strides = array<i32>} : memref<128x256xf32, #tpu.memory_space<vmem>>, vector<1x16xf32>,
      %get3A_252 = vector.shape_cast %get3A_251 : vector<1x16xf32> to vector<16xf32>
      %get3A_253 = arith.constant 2 : i32
      %get3A_254 = arith.index_cast %get3A_253 : i32 to index
      %get3A_255 = arith.index_cast %scan3A_199 : i32 to index
      %get3A_256 = arith.constant 48 : index
      %get3A_257 = tpu.vector_load %arg7[%get3A_254, %get3A_255, %get3A_256] {strides = array<i32>} : memref<4x32x256xf32, #tpu.memory_space<vmem>>, vector<1x1x16xf32>,
      %get3A_258 = vector.shape_cast %get3A_257 : vector<1x1x16xf32> to vector<16xf32>
      %sub3A_259 = arith.subf %get3A_252, %get3A_258 : vector<16xf32>
      %mul3A_260 = arith.mulf %sub3A_259, %sub3A_259 : vector<16xf32>
      %add3A_261 = arith.addf %scan3A_203, %mul3A_260 : vector<16xf32>
      %add3A_262 = arith.constant 64 : i32
      %add3A_263 = arith.addi %add3A_262, %scan3A_199 : i32
      %get3A_264 = arith.index_cast %add3A_263 : i32 to index
      %get3A_265 = arith.constant 64 : index
      %get3A_266 = tpu.vector_load %arg8[%get3A_264, %get3A_265] {strides = array<i32>} : memref<128x256xf32, #tpu.memory_space<vmem>>, vector<1x16xf32>,
      %get3A_267 = vector.shape_cast %get3A_266 : vector<1x16xf32> to vector<16xf32>
      %get3A_268 = arith.constant 2 : i32
      %get3A_269 = arith.index_cast %get3A_268 : i32 to index
      %get3A_270 = arith.index_cast %scan3A_199 : i32 to index
      %get3A_271 = arith.constant 64 : index
      %get3A_272 = tpu.vector_load %arg7[%get3A_269, %get3A_270, %get3A_271] {strides = array<i32>} : memref<4x32x256xf32, #tpu.memory_space<vmem>>, vector<1x1x16xf32>,
      %get3A_273 = vector.shape_cast %get3A_272 : vector<1x1x16xf32> to vector<16xf32>
      %sub3A_274 = arith.subf %get3A_267, %get3A_273 : vector<16xf32>
      %mul3A_275 = arith.mulf %sub3A_274, %sub3A_274 : vector<16xf32>
      %add3A_276 = arith.addf %add3A_216, %mul3A_275 : vector<16xf32>
      %add3A_277 = arith.constant 64 : i32
      %add3A_278 = arith.addi %add3A_277, %scan3A_199 : i32
      %get3A_279 = arith.index_cast %add3A_278 : i32 to index
      %get3A_280 = arith.constant 80 : index
      %get3A_281 = tpu.vector_load %arg8[%get3A_279, %get3A_280] {strides = array<i32>} : memref<128x256xf32, #tpu.memory_space<vmem>>, vector<1x16xf32>,
      %get3A_282 = vector.shape_cast %get3A_281 : vector<1x16xf32> to vector<16xf32>
      %get3A_283 = arith.constant 2 : i32
      %get3A_284 = arith.index_cast %get3A_283 : i32 to index
      %get3A_285 = arith.index_cast %scan3A_199 : i32 to index
      %get3A_286 = arith.constant 80 : index
      %get3A_287 = tpu.vector_load %arg7[%get3A_284, %get3A_285, %get3A_286] {strides = array<i32>} : memref<4x32x256xf32, #tpu.memory_space<vmem>>, vector<1x1x16xf32>,
      %get3A_288 = vector.shape_cast %get3A_287 : vector<1x1x16xf32> to vector<16xf32>
      %sub3A_289 = arith.subf %get3A_282, %get3A_288 : vector<16xf32>
      %mul3A_290 = arith.mulf %sub3A_289, %sub3A_289 : vector<16xf32>
      %add3A_291 = arith.addf %add3A_231, %mul3A_290 : vector<16xf32>
      %add3A_292 = arith.constant 64 : i32
      %add3A_293 = arith.addi %add3A_292, %scan3A_199 : i32
      %get3A_294 = arith.index_cast %add3A_293 : i32 to index
      %get3A_295 = arith.constant 96 : index
      %get3A_296 = tpu.vector_load %arg8[%get3A_294, %get3A_295] {strides = array<i32>} : memref<128x256xf32, #tpu.memory_space<vmem>>, vector<1x16xf32>,
      %get3A_297 = vector.shape_cast %get3A_296 : vector<1x16xf32> to vector<16xf32>
      %get3A_298 = arith.constant 2 : i32
      %get3A_299 = arith.index_cast %get3A_298 : i32 to index
      %get3A_300 = arith.index_cast %scan3A_199 : i32 to index
      %get3A_301 = arith.constant 96 : index
      %get3A_302 = tpu.vector_load %arg7[%get3A_299, %get3A_300, %get3A_301] {strides = array<i32>} : memref<4x32x256xf32, #tpu.memory_space<vmem>>, vector<1x1x16xf32>,
      %get3A_303 = vector.shape_cast %get3A_302 : vector<1x1x16xf32> to vector<16xf32>
      %sub3A_304 = arith.subf %get3A_297, %get3A_303 : vector<16xf32>
      %mul3A_305 = arith.mulf %sub3A_304, %sub3A_304 : vector<16xf32>
      %add3A_306 = arith.addf %add3A_246, %mul3A_305 : vector<16xf32>
      %add3A_307 = arith.constant 64 : i32
      %add3A_308 = arith.addi %add3A_307, %scan3A_199 : i32
      %get3A_309 = arith.index_cast %add3A_308 : i32 to index
      %get3A_310 = arith.constant 112 : index
      %get3A_311 = tpu.vector_load %arg8[%get3A_309, %get3A_310] {strides = array<i32>} : memref<128x256xf32, #tpu.memory_space<vmem>>, vector<1x16xf32>,
      %get3A_312 = vector.shape_cast %get3A_311 : vector<1x16xf32> to vector<16xf32>
      %get3A_313 = arith.constant 2 : i32
      %get3A_314 = arith.index_cast %get3A_313 : i32 to index
      %get3A_315 = arith.index_cast %scan3A_199 : i32 to index
      %get3A_316 = arith.constant 112 : index
      %get3A_317 = tpu.vector_load %arg7[%get3A_314, %get3A_315, %get3A_316] {strides = array<i32>} : memref<4x32x256xf32, #tpu.memory_space<vmem>>, vector<1x1x16xf32>,
      %get3A_318 = vector.shape_cast %get3A_317 : vector<1x1x16xf32> to vector<16xf32>
      %sub3A_319 = arith.subf %get3A_312, %get3A_318 : vector<16xf32>
      %mul3A_320 = arith.mulf %sub3A_319, %sub3A_319 : vector<16xf32>
      %add3A_321 = arith.addf %add3A_261, %mul3A_320 : vector<16xf32>
      %add3A_322 = arith.constant 64 : i32
      %add3A_323 = arith.addi %add3A_322, %scan3A_199 : i32
      %get3A_324 = arith.index_cast %add3A_323 : i32 to index
      %get3A_325 = arith.constant 128 : index
      %get3A_326 = tpu.vector_load %arg8[%get3A_324, %get3A_325] {strides = array<i32>} : memref<128x256xf32, #tpu.memory_space<vmem>>, vector<1x16xf32>,
      %get3A_327 = vector.shape_cast %get3A_326 : vector<1x16xf32> to vector<16xf32>
      %get3A_328 = arith.constant 2 : i32
      %get3A_329 = arith.index_cast %get3A_328 : i32 to index
      %get3A_330 = arith.index_cast %scan3A_199 : i32 to index
      %get3A_331 = arith.constant 128 : index
      %get3A_332 = tpu.vector_load %arg7[%get3A_329, %get3A_330, %get3A_331] {strides = array<i32>} : memref<4x32x256xf32, #tpu.memory_space<vmem>>, vector<1x1x16xf32>,
      %get3A_333 = vector.shape_cast %get3A_332 : vector<1x1x16xf32> to vector<16xf32>
      %sub3A_334 = arith.subf %get3A_327, %get3A_333 : vector<16xf32>
      %mul3A_335 = arith.mulf %sub3A_334, %sub3A_334 : vector<16xf32>
      %add3A_336 = arith.addf %add3A_276, %mul3A_335 : vector<16xf32>
      %add3A_337 = arith.constant 64 : i32
      %add3A_338 = arith.addi %add3A_337, %scan3A_199 : i32
      %get3A_339 = arith.index_cast %add3A_338 : i32 to index
      %get3A_340 = arith.constant 144 : index
      %get3A_341 = tpu.vector_load %arg8[%get3A_339, %get3A_340] {strides = array<i32>} : memref<128x256xf32, #tpu.memory_space<vmem>>, vector<1x16xf32>,
      %get3A_342 = vector.shape_cast %get3A_341 : vector<1x16xf32> to vector<16xf32>
      %get3A_343 = arith.constant 2 : i32
      %get3A_344 = arith.index_cast %get3A_343 : i32 to index
      %get3A_345 = arith.index_cast %scan3A_199 : i32 to index
      %get3A_346 = arith.constant 144 : index
      %get3A_347 = tpu.vector_load %arg7[%get3A_344, %get3A_345, %get3A_346] {strides = array<i32>} : memref<4x32x256xf32, #tpu.memory_space<vmem>>, vector<1x1x16xf32>,
      %get3A_348 = vector.shape_cast %get3A_347 : vector<1x1x16xf32> to vector<16xf32>
      %sub3A_349 = arith.subf %get3A_342, %get3A_348 : vector<16xf32>
      %mul3A_350 = arith.mulf %sub3A_349, %sub3A_349 : vector<16xf32>
      %add3A_351 = arith.addf %add3A_291, %mul3A_350 : vector<16xf32>
      %add3A_352 = arith.constant 64 : i32
      %add3A_353 = arith.addi %add3A_352, %scan3A_199 : i32
      %get3A_354 = arith.index_cast %add3A_353 : i32 to index
      %get3A_355 = arith.constant 160 : index
      %get3A_356 = tpu.vector_load %arg8[%get3A_354, %get3A_355] {strides = array<i32>} : memref<128x256xf32, #tpu.memory_space<vmem>>, vector<1x16xf32>,
      %get3A_357 = vector.shape_cast %get3A_356 : vector<1x16xf32> to vector<16xf32>
      %get3A_358 = arith.constant 2 : i32
      %get3A_359 = arith.index_cast %get3A_358 : i32 to index
      %get3A_360 = arith.index_cast %scan3A_199 : i32 to index
      %get3A_361 = arith.constant 160 : index
      %get3A_362 = tpu.vector_load %arg7[%get3A_359, %get3A_360, %get3A_361] {strides = array<i32>} : memref<4x32x256xf32, #tpu.memory_space<vmem>>, vector<1x1x16xf32>,
      %get3A_363 = vector.shape_cast %get3A_362 : vector<1x1x16xf32> to vector<16xf32>
      %sub3A_364 = arith.subf %get3A_357, %get3A_363 : vector<16xf32>
      %mul3A_365 = arith.mulf %sub3A_364, %sub3A_364 : vector<16xf32>
      %add3A_366 = arith.addf %add3A_306, %mul3A_365 : vector<16xf32>
      %add3A_367 = arith.constant 64 : i32
      %add3A_368 = arith.addi %add3A_367, %scan3A_199 : i32
      %get3A_369 = arith.index_cast %add3A_368 : i32 to index
      %get3A_370 = arith.constant 176 : index
      %get3A_371 = tpu.vector_load %arg8[%get3A_369, %get3A_370] {strides = array<i32>} : memref<128x256xf32, #tpu.memory_space<vmem>>, vector<1x16xf32>,
      %get3A_372 = vector.shape_cast %get3A_371 : vector<1x16xf32> to vector<16xf32>
      %get3A_373 = arith.constant 2 : i32
      %get3A_374 = arith.index_cast %get3A_373 : i32 to index
      %get3A_375 = arith.index_cast %scan3A_199 : i32 to index
      %get3A_376 = arith.constant 176 : index
      %get3A_377 = tpu.vector_load %arg7[%get3A_374, %get3A_375, %get3A_376] {strides = array<i32>} : memref<4x32x256xf32, #tpu.memory_space<vmem>>, vector<1x1x16xf32>,
      %get3A_378 = vector.shape_cast %get3A_377 : vector<1x1x16xf32> to vector<16xf32>
      %sub3A_379 = arith.subf %get3A_372, %get3A_378 : vector<16xf32>
      %mul3A_380 = arith.mulf %sub3A_379, %sub3A_379 : vector<16xf32>
      %add3A_381 = arith.addf %add3A_321, %mul3A_380 : vector<16xf32>
      %add3A_382 = arith.constant 64 : i32
      %add3A_383 = arith.addi %add3A_382, %scan3A_199 : i32
      %get3A_384 = arith.index_cast %add3A_383 : i32 to index
      %get3A_385 = arith.constant 192 : index
      %get3A_386 = tpu.vector_load %arg8[%get3A_384, %get3A_385] {strides = array<i32>} : memref<128x256xf32, #tpu.memory_space<vmem>>, vector<1x16xf32>,
      %get3A_387 = vector.shape_cast %get3A_386 : vector<1x16xf32> to vector<16xf32>
      %get3A_388 = arith.constant 2 : i32
      %get3A_389 = arith.index_cast %get3A_388 : i32 to index
      %get3A_390 = arith.index_cast %scan3A_199 : i32 to index
      %get3A_391 = arith.constant 192 : index
      %get3A_392 = tpu.vector_load %arg7[%get3A_389, %get3A_390, %get3A_391] {strides = array<i32>} : memref<4x32x256xf32, #tpu.memory_space<vmem>>, vector<1x1x16xf32>,
      %get3A_393 = vector.shape_cast %get3A_392 : vector<1x1x16xf32> to vector<16xf32>
      %sub3A_394 = arith.subf %get3A_387, %get3A_393 : vector<16xf32>
      %mul3A_395 = arith.mulf %sub3A_394, %sub3A_394 : vector<16xf32>
      %add3A_396 = arith.addf %add3A_336, %mul3A_395 : vector<16xf32>
      %add3A_397 = arith.constant 64 : i32
      %add3A_398 = arith.addi %add3A_397, %scan3A_199 : i32
      %get3A_399 = arith.index_cast %add3A_398 : i32 to index
      %get3A_400 = arith.constant 208 : index
      %get3A_401 = tpu.vector_load %arg8[%get3A_399, %get3A_400] {strides = array<i32>} : memref<128x256xf32, #tpu.memory_space<vmem>>, vector<1x16xf32>,
      %get3A_402 = vector.shape_cast %get3A_401 : vector<1x16xf32> to vector<16xf32>
      %get3A_403 = arith.constant 2 : i32
      %get3A_404 = arith.index_cast %get3A_403 : i32 to index
      %get3A_405 = arith.index_cast %scan3A_199 : i32 to index
      %get3A_406 = arith.constant 208 : index
      %get3A_407 = tpu.vector_load %arg7[%get3A_404, %get3A_405, %get3A_406] {strides = array<i32>} : memref<4x32x256xf32, #tpu.memory_space<vmem>>, vector<1x1x16xf32>,
      %get3A_408 = vector.shape_cast %get3A_407 : vector<1x1x16xf32> to vector<16xf32>
      %sub3A_409 = arith.subf %get3A_402, %get3A_408 : vector<16xf32>
      %mul3A_410 = arith.mulf %sub3A_409, %sub3A_409 : vector<16xf32>
      %add3A_411 = arith.addf %add3A_351, %mul3A_410 : vector<16xf32>
      %add3A_412 = arith.constant 64 : i32
      %add3A_413 = arith.addi %add3A_412, %scan3A_199 : i32
      %get3A_414 = arith.index_cast %add3A_413 : i32 to index
      %get3A_415 = arith.constant 224 : index
      %get3A_416 = tpu.vector_load %arg8[%get3A_414, %get3A_415] {strides = array<i32>} : memref<128x256xf32, #tpu.memory_space<vmem>>, vector<1x16xf32>,
      %get3A_417 = vector.shape_cast %get3A_416 : vector<1x16xf32> to vector<16xf32>
      %get3A_418 = arith.constant 2 : i32
      %get3A_419 = arith.index_cast %get3A_418 : i32 to index
      %get3A_420 = arith.index_cast %scan3A_199 : i32 to index
      %get3A_421 = arith.constant 224 : index
      %get3A_422 = tpu.vector_load %arg7[%get3A_419, %get3A_420, %get3A_421] {strides = array<i32>} : memref<4x32x256xf32, #tpu.memory_space<vmem>>, vector<1x1x16xf32>,
      %get3A_423 = vector.shape_cast %get3A_422 : vector<1x1x16xf32> to vector<16xf32>
      %sub3A_424 = arith.subf %get3A_417, %get3A_423 : vector<16xf32>
      %mul3A_425 = arith.mulf %sub3A_424, %sub3A_424 : vector<16xf32>
      %add3A_426 = arith.addf %add3A_366, %mul3A_425 : vector<16xf32>
      %add3A_427 = arith.constant 64 : i32
      %add3A_428 = arith.addi %add3A_427, %scan3A_199 : i32
      %get3A_429 = arith.index_cast %add3A_428 : i32 to index
      %get3A_430 = arith.constant 240 : index
      %get3A_431 = tpu.vector_load %arg8[%get3A_429, %get3A_430] {strides = array<i32>} : memref<128x256xf32, #tpu.memory_space<vmem>>, vector<1x16xf32>,
      %get3A_432 = vector.shape_cast %get3A_431 : vector<1x16xf32> to vector<16xf32>
      %get3A_433 = arith.constant 2 : i32
      %get3A_434 = arith.index_cast %get3A_433 : i32 to index
      %get3A_435 = arith.index_cast %scan3A_199 : i32 to index
      %get3A_436 = arith.constant 240 : index
      %get3A_437 = tpu.vector_load %arg7[%get3A_434, %get3A_435, %get3A_436] {strides = array<i32>} : memref<4x32x256xf32, #tpu.memory_space<vmem>>, vector<1x1x16xf32>,
      %get3A_438 = vector.shape_cast %get3A_437 : vector<1x1x16xf32> to vector<16xf32>
      %sub3A_439 = arith.subf %get3A_432, %get3A_438 : vector<16xf32>
      %mul3A_440 = arith.mulf %sub3A_439, %sub3A_439 : vector<16xf32>
      %add3A_441 = arith.addf %add3A_381, %mul3A_440 : vector<16xf32>
      scf.yield %add3A_396, %add3A_411, %add3A_426, %add3A_441 : vector<16xf32>, vector<16xf32>, vector<16xf32>, vector<16xf32>
    }
    %scan3A_166 = arith.constant 32 : i32
    %dma_wait3A_167 = arith.constant 3 : i32
    %dma_wait3A_168 = arith.constant 0 : i32
    %dma_wait3A_169 = arith.constant 0 : i32
    %dma_wait3A_170 = tpu.memref_slice %arg7[%dma_wait3A_167, %dma_wait3A_168, %dma_wait3A_169] : memref<4x32x256xf32, #tpu.memory_space<vmem>> -> memref<1x32x256xf32, #tpu.memory_space<vmem>>
    %dma_wait3A_171 = tpu.memref_squeeze %dma_wait3A_170 : memref<1x32x256xf32, #tpu.memory_space<vmem>> -> memref<32x256xf32, #tpu.memory_space<vmem>>
    %dma_wait3A_172 = arith.constant 96 : i32
    %dma_wait3A_173 = tpu.memref_slice %arg6[%dma_wait3A_172] : memref<128xi32, #tpu.memory_space<vmem>> -> memref<32xi32, #tpu.memory_space<vmem>>
    %dma_wait3A_174 = arith.constant 0 : i32
    %dma_wait3A_175 = arith.constant 0 : i32
    %dma_wait3A_176 = tpu.memref_slice %arg4[%dma_wait3A_174, %dma_wait3A_175] : memref<100000x256xf32, #tpu.memory_space<hbm>> -> memref<100000x256xf32, #tpu.memory_space<hbm>>
    tpu.wait_indirect_dma semaphore(%arg13 : memref<!tpu.dma_semaphore, #tpu.memory_space<semaphore_mem>>) src(%dma_wait3A_176 : memref<100000x256xf32, #tpu.memory_space<hbm>>) dst(%dma_wait3A_171 : memref<32x256xf32, #tpu.memory_space<vmem>>)
    %dma_wait3A_177 = arith.constant 96 : i32
    %dma_wait3A_178 = arith.constant 0 : i32
    %dma_wait3A_179 = tpu.memref_slice %arg8[%dma_wait3A_177, %dma_wait3A_178] : memref<128x256xf32, #tpu.memory_space<vmem>> -> memref<32x256xf32, #tpu.memory_space<vmem>>
    %dma_wait3A_180 = arith.constant 0 : i32
    %dma_wait3A_181 = tpu.memref_slice %arg2[%add3A_114, %dma_wait3A_180] : memref<4096x256xf32, #tpu.memory_space<hbm>> -> memref<32x256xf32, #tpu.memory_space<hbm>>
    %dma_wait3A_182 = arith.constant 96 : i32
    %dma_wait3A_183 = arith.constant 0 : i32
    %dma_wait3A_184 = tpu.memref_slice %arg8[%dma_wait3A_182, %dma_wait3A_183] : memref<128x256xf32, #tpu.memory_space<vmem>> -> memref<32x256xf32, #tpu.memory_space<vmem>>
    %dma_wait3A_185 = arith.constant 0 : i32
    %dma_wait3A_186 = tpu.memref_slice %arg2[%add3A_114, %dma_wait3A_185] : memref<4096x256xf32, #tpu.memory_space<hbm>> -> memref<32x256xf32, #tpu.memory_space<hbm>>
    tpu.wait_dma2 semaphore(%arg13 : memref<!tpu.dma_semaphore, #tpu.memory_space<semaphore_mem>>) src(%dma_wait3A_186 : memref<32x256xf32, #tpu.memory_space<hbm>>) dst(%dma_wait3A_184 : memref<32x256xf32, #tpu.memory_space<vmem>>)
    %scan3A_187 = arith.constant 0 : i32
    %scan3A_188 = arith.constant 32 : i32
    %scan3A_189 = arith.addi %scan3A_187, %scan3A_188 : i32
    %scan3A_190 = arith.constant 1 : i32
    %scan3A_191:4 = scf.for %scan3A_199 = %scan3A_187 to %scan3A_189 step %scan3A_190 iter_args(%scan3A_200 = %scan3A_165#0, %scan3A_201 = %scan3A_165#1, %scan3A_202 = %scan3A_165#2, %scan3A_203 = %scan3A_165#3) -> (vector<16xf32>, vector<16xf32>, vector<16xf32>, vector<16xf32>)  : i32 {
      %add3A_204 = arith.constant 96 : i32
      %add3A_205 = arith.addi %add3A_204, %scan3A_199 : i32
      %get3A = arith.index_cast %add3A_205 : i32 to index
      %get3A_206 = arith.constant 0 : index
      %get3A_207 = tpu.vector_load %arg8[%get3A, %get3A_206] {strides = array<i32>} : memref<128x256xf32, #tpu.memory_space<vmem>>, vector<1x16xf32>,
      %get3A_208 = vector.shape_cast %get3A_207 : vector<1x16xf32> to vector<16xf32>
      %get3A_209 = arith.constant 3 : i32
      %get3A_210 = arith.index_cast %get3A_209 : i32 to index
      %get3A_211 = arith.index_cast %scan3A_199 : i32 to index
      %get3A_212 = arith.constant 0 : index
      %get3A_213 = tpu.vector_load %arg7[%get3A_210, %get3A_211, %get3A_212] {strides = array<i32>} : memref<4x32x256xf32, #tpu.memory_space<vmem>>, vector<1x1x16xf32>,
      %get3A_214 = vector.shape_cast %get3A_213 : vector<1x1x16xf32> to vector<16xf32>
      %sub3A = arith.subf %get3A_208, %get3A_214 : vector<16xf32>
      %mul3A_215 = arith.mulf %sub3A, %sub3A : vector<16xf32>
      %add3A_216 = arith.addf %scan3A_200, %mul3A_215 : vector<16xf32>
      %add3A_217 = arith.constant 96 : i32
      %add3A_218 = arith.addi %add3A_217, %scan3A_199 : i32
      %get3A_219 = arith.index_cast %add3A_218 : i32 to index
      %get3A_220 = arith.constant 16 : index
      %get3A_221 = tpu.vector_load %arg8[%get3A_219, %get3A_220] {strides = array<i32>} : memref<128x256xf32, #tpu.memory_space<vmem>>, vector<1x16xf32>,
      %get3A_222 = vector.shape_cast %get3A_221 : vector<1x16xf32> to vector<16xf32>
      %get3A_223 = arith.constant 3 : i32
      %get3A_224 = arith.index_cast %get3A_223 : i32 to index
      %get3A_225 = arith.index_cast %scan3A_199 : i32 to index
      %get3A_226 = arith.constant 16 : index
      %get3A_227 = tpu.vector_load %arg7[%get3A_224, %get3A_225, %get3A_226] {strides = array<i32>} : memref<4x32x256xf32, #tpu.memory_space<vmem>>, vector<1x1x16xf32>,
      %get3A_228 = vector.shape_cast %get3A_227 : vector<1x1x16xf32> to vector<16xf32>
      %sub3A_229 = arith.subf %get3A_222, %get3A_228 : vector<16xf32>
      %mul3A_230 = arith.mulf %sub3A_229, %sub3A_229 : vector<16xf32>
      %add3A_231 = arith.addf %scan3A_201, %mul3A_230 : vector<16xf32>
      %add3A_232 = arith.constant 96 : i32
      %add3A_233 = arith.addi %add3A_232, %scan3A_199 : i32
      %get3A_234 = arith.index_cast %add3A_233 : i32 to index
      %get3A_235 = arith.constant 32 : index
      %get3A_236 = tpu.vector_load %arg8[%get3A_234, %get3A_235] {strides = array<i32>} : memref<128x256xf32, #tpu.memory_space<vmem>>, vector<1x16xf32>,
      %get3A_237 = vector.shape_cast %get3A_236 : vector<1x16xf32> to vector<16xf32>
      %get3A_238 = arith.constant 3 : i32
      %get3A_239 = arith.index_cast %get3A_238 : i32 to index
      %get3A_240 = arith.index_cast %scan3A_199 : i32 to index
      %get3A_241 = arith.constant 32 : index
      %get3A_242 = tpu.vector_load %arg7[%get3A_239, %get3A_240, %get3A_241] {strides = array<i32>} : memref<4x32x256xf32, #tpu.memory_space<vmem>>, vector<1x1x16xf32>,
      %get3A_243 = vector.shape_cast %get3A_242 : vector<1x1x16xf32> to vector<16xf32>
      %sub3A_244 = arith.subf %get3A_237, %get3A_243 : vector<16xf32>
      %mul3A_245 = arith.mulf %sub3A_244, %sub3A_244 : vector<16xf32>
      %add3A_246 = arith.addf %scan3A_202, %mul3A_245 : vector<16xf32>
      %add3A_247 = arith.constant 96 : i32
      %add3A_248 = arith.addi %add3A_247, %scan3A_199 : i32
      %get3A_249 = arith.index_cast %add3A_248 : i32 to index
      %get3A_250 = arith.constant 48 : index
      %get3A_251 = tpu.vector_load %arg8[%get3A_249, %get3A_250] {strides = array<i32>} : memref<128x256xf32, #tpu.memory_space<vmem>>, vector<1x16xf32>,
      %get3A_252 = vector.shape_cast %get3A_251 : vector<1x16xf32> to vector<16xf32>
      %get3A_253 = arith.constant 3 : i32
      %get3A_254 = arith.index_cast %get3A_253 : i32 to index
      %get3A_255 = arith.index_cast %scan3A_199 : i32 to index
      %get3A_256 = arith.constant 48 : index
      %get3A_257 = tpu.vector_load %arg7[%get3A_254, %get3A_255, %get3A_256] {strides = array<i32>} : memref<4x32x256xf32, #tpu.memory_space<vmem>>, vector<1x1x16xf32>,
      %get3A_258 = vector.shape_cast %get3A_257 : vector<1x1x16xf32> to vector<16xf32>
      %sub3A_259 = arith.subf %get3A_252, %get3A_258 : vector<16xf32>
      %mul3A_260 = arith.mulf %sub3A_259, %sub3A_259 : vector<16xf32>
      %add3A_261 = arith.addf %scan3A_203, %mul3A_260 : vector<16xf32>
      %add3A_262 = arith.constant 96 : i32
      %add3A_263 = arith.addi %add3A_262, %scan3A_199 : i32
      %get3A_264 = arith.index_cast %add3A_263 : i32 to index
      %get3A_265 = arith.constant 64 : index
      %get3A_266 = tpu.vector_load %arg8[%get3A_264, %get3A_265] {strides = array<i32>} : memref<128x256xf32, #tpu.memory_space<vmem>>, vector<1x16xf32>,
      %get3A_267 = vector.shape_cast %get3A_266 : vector<1x16xf32> to vector<16xf32>
      %get3A_268 = arith.constant 3 : i32
      %get3A_269 = arith.index_cast %get3A_268 : i32 to index
      %get3A_270 = arith.index_cast %scan3A_199 : i32 to index
      %get3A_271 = arith.constant 64 : index
      %get3A_272 = tpu.vector_load %arg7[%get3A_269, %get3A_270, %get3A_271] {strides = array<i32>} : memref<4x32x256xf32, #tpu.memory_space<vmem>>, vector<1x1x16xf32>,
      %get3A_273 = vector.shape_cast %get3A_272 : vector<1x1x16xf32> to vector<16xf32>
      %sub3A_274 = arith.subf %get3A_267, %get3A_273 : vector<16xf32>
      %mul3A_275 = arith.mulf %sub3A_274, %sub3A_274 : vector<16xf32>
      %add3A_276 = arith.addf %add3A_216, %mul3A_275 : vector<16xf32>
      %add3A_277 = arith.constant 96 : i32
      %add3A_278 = arith.addi %add3A_277, %scan3A_199 : i32
      %get3A_279 = arith.index_cast %add3A_278 : i32 to index
      %get3A_280 = arith.constant 80 : index
      %get3A_281 = tpu.vector_load %arg8[%get3A_279, %get3A_280] {strides = array<i32>} : memref<128x256xf32, #tpu.memory_space<vmem>>, vector<1x16xf32>,
      %get3A_282 = vector.shape_cast %get3A_281 : vector<1x16xf32> to vector<16xf32>
      %get3A_283 = arith.constant 3 : i32
      %get3A_284 = arith.index_cast %get3A_283 : i32 to index
      %get3A_285 = arith.index_cast %scan3A_199 : i32 to index
      %get3A_286 = arith.constant 80 : index
      %get3A_287 = tpu.vector_load %arg7[%get3A_284, %get3A_285, %get3A_286] {strides = array<i32>} : memref<4x32x256xf32, #tpu.memory_space<vmem>>, vector<1x1x16xf32>,
      %get3A_288 = vector.shape_cast %get3A_287 : vector<1x1x16xf32> to vector<16xf32>
      %sub3A_289 = arith.subf %get3A_282, %get3A_288 : vector<16xf32>
      %mul3A_290 = arith.mulf %sub3A_289, %sub3A_289 : vector<16xf32>
      %add3A_291 = arith.addf %add3A_231, %mul3A_290 : vector<16xf32>
      %add3A_292 = arith.constant 96 : i32
      %add3A_293 = arith.addi %add3A_292, %scan3A_199 : i32
      %get3A_294 = arith.index_cast %add3A_293 : i32 to index
      %get3A_295 = arith.constant 96 : index
      %get3A_296 = tpu.vector_load %arg8[%get3A_294, %get3A_295] {strides = array<i32>} : memref<128x256xf32, #tpu.memory_space<vmem>>, vector<1x16xf32>,
      %get3A_297 = vector.shape_cast %get3A_296 : vector<1x16xf32> to vector<16xf32>
      %get3A_298 = arith.constant 3 : i32
      %get3A_299 = arith.index_cast %get3A_298 : i32 to index
      %get3A_300 = arith.index_cast %scan3A_199 : i32 to index
      %get3A_301 = arith.constant 96 : index
      %get3A_302 = tpu.vector_load %arg7[%get3A_299, %get3A_300, %get3A_301] {strides = array<i32>} : memref<4x32x256xf32, #tpu.memory_space<vmem>>, vector<1x1x16xf32>,
      %get3A_303 = vector.shape_cast %get3A_302 : vector<1x1x16xf32> to vector<16xf32>
      %sub3A_304 = arith.subf %get3A_297, %get3A_303 : vector<16xf32>
      %mul3A_305 = arith.mulf %sub3A_304, %sub3A_304 : vector<16xf32>
      %add3A_306 = arith.addf %add3A_246, %mul3A_305 : vector<16xf32>
      %add3A_307 = arith.constant 96 : i32
      %add3A_308 = arith.addi %add3A_307, %scan3A_199 : i32
      %get3A_309 = arith.index_cast %add3A_308 : i32 to index
      %get3A_310 = arith.constant 112 : index
      %get3A_311 = tpu.vector_load %arg8[%get3A_309, %get3A_310] {strides = array<i32>} : memref<128x256xf32, #tpu.memory_space<vmem>>, vector<1x16xf32>,
      %get3A_312 = vector.shape_cast %get3A_311 : vector<1x16xf32> to vector<16xf32>
      %get3A_313 = arith.constant 3 : i32
      %get3A_314 = arith.index_cast %get3A_313 : i32 to index
      %get3A_315 = arith.index_cast %scan3A_199 : i32 to index
      %get3A_316 = arith.constant 112 : index
      %get3A_317 = tpu.vector_load %arg7[%get3A_314, %get3A_315, %get3A_316] {strides = array<i32>} : memref<4x32x256xf32, #tpu.memory_space<vmem>>, vector<1x1x16xf32>,
      %get3A_318 = vector.shape_cast %get3A_317 : vector<1x1x16xf32> to vector<16xf32>
      %sub3A_319 = arith.subf %get3A_312, %get3A_318 : vector<16xf32>
      %mul3A_320 = arith.mulf %sub3A_319, %sub3A_319 : vector<16xf32>
      %add3A_321 = arith.addf %add3A_261, %mul3A_320 : vector<16xf32>
      %add3A_322 = arith.constant 96 : i32
      %add3A_323 = arith.addi %add3A_322, %scan3A_199 : i32
      %get3A_324 = arith.index_cast %add3A_323 : i32 to index
      %get3A_325 = arith.constant 128 : index
      %get3A_326 = tpu.vector_load %arg8[%get3A_324, %get3A_325] {strides = array<i32>} : memref<128x256xf32, #tpu.memory_space<vmem>>, vector<1x16xf32>,
      %get3A_327 = vector.shape_cast %get3A_326 : vector<1x16xf32> to vector<16xf32>
      %get3A_328 = arith.constant 3 : i32
      %get3A_329 = arith.index_cast %get3A_328 : i32 to index
      %get3A_330 = arith.index_cast %scan3A_199 : i32 to index
      %get3A_331 = arith.constant 128 : index
      %get3A_332 = tpu.vector_load %arg7[%get3A_329, %get3A_330, %get3A_331] {strides = array<i32>} : memref<4x32x256xf32, #tpu.memory_space<vmem>>, vector<1x1x16xf32>,
      %get3A_333 = vector.shape_cast %get3A_332 : vector<1x1x16xf32> to vector<16xf32>
      %sub3A_334 = arith.subf %get3A_327, %get3A_333 : vector<16xf32>
      %mul3A_335 = arith.mulf %sub3A_334, %sub3A_334 : vector<16xf32>
      %add3A_336 = arith.addf %add3A_276, %mul3A_335 : vector<16xf32>
      %add3A_337 = arith.constant 96 : i32
      %add3A_338 = arith.addi %add3A_337, %scan3A_199 : i32
      %get3A_339 = arith.index_cast %add3A_338 : i32 to index
      %get3A_340 = arith.constant 144 : index
      %get3A_341 = tpu.vector_load %arg8[%get3A_339, %get3A_340] {strides = array<i32>} : memref<128x256xf32, #tpu.memory_space<vmem>>, vector<1x16xf32>,
      %get3A_342 = vector.shape_cast %get3A_341 : vector<1x16xf32> to vector<16xf32>
      %get3A_343 = arith.constant 3 : i32
      %get3A_344 = arith.index_cast %get3A_343 : i32 to index
      %get3A_345 = arith.index_cast %scan3A_199 : i32 to index
      %get3A_346 = arith.constant 144 : index
      %get3A_347 = tpu.vector_load %arg7[%get3A_344, %get3A_345, %get3A_346] {strides = array<i32>} : memref<4x32x256xf32, #tpu.memory_space<vmem>>, vector<1x1x16xf32>,
      %get3A_348 = vector.shape_cast %get3A_347 : vector<1x1x16xf32> to vector<16xf32>
      %sub3A_349 = arith.subf %get3A_342, %get3A_348 : vector<16xf32>
      %mul3A_350 = arith.mulf %sub3A_349, %sub3A_349 : vector<16xf32>
      %add3A_351 = arith.addf %add3A_291, %mul3A_350 : vector<16xf32>
      %add3A_352 = arith.constant 96 : i32
      %add3A_353 = arith.addi %add3A_352, %scan3A_199 : i32
      %get3A_354 = arith.index_cast %add3A_353 : i32 to index
      %get3A_355 = arith.constant 160 : index
      %get3A_356 = tpu.vector_load %arg8[%get3A_354, %get3A_355] {strides = array<i32>} : memref<128x256xf32, #tpu.memory_space<vmem>>, vector<1x16xf32>,
      %get3A_357 = vector.shape_cast %get3A_356 : vector<1x16xf32> to vector<16xf32>
      %get3A_358 = arith.constant 3 : i32
      %get3A_359 = arith.index_cast %get3A_358 : i32 to index
      %get3A_360 = arith.index_cast %scan3A_199 : i32 to index
      %get3A_361 = arith.constant 160 : index
      %get3A_362 = tpu.vector_load %arg7[%get3A_359, %get3A_360, %get3A_361] {strides = array<i32>} : memref<4x32x256xf32, #tpu.memory_space<vmem>>, vector<1x1x16xf32>,
      %get3A_363 = vector.shape_cast %get3A_362 : vector<1x1x16xf32> to vector<16xf32>
      %sub3A_364 = arith.subf %get3A_357, %get3A_363 : vector<16xf32>
      %mul3A_365 = arith.mulf %sub3A_364, %sub3A_364 : vector<16xf32>
      %add3A_366 = arith.addf %add3A_306, %mul3A_365 : vector<16xf32>
      %add3A_367 = arith.constant 96 : i32
      %add3A_368 = arith.addi %add3A_367, %scan3A_199 : i32
      %get3A_369 = arith.index_cast %add3A_368 : i32 to index
      %get3A_370 = arith.constant 176 : index
      %get3A_371 = tpu.vector_load %arg8[%get3A_369, %get3A_370] {strides = array<i32>} : memref<128x256xf32, #tpu.memory_space<vmem>>, vector<1x16xf32>,
      %get3A_372 = vector.shape_cast %get3A_371 : vector<1x16xf32> to vector<16xf32>
      %get3A_373 = arith.constant 3 : i32
      %get3A_374 = arith.index_cast %get3A_373 : i32 to index
      %get3A_375 = arith.index_cast %scan3A_199 : i32 to index
      %get3A_376 = arith.constant 176 : index
      %get3A_377 = tpu.vector_load %arg7[%get3A_374, %get3A_375, %get3A_376] {strides = array<i32>} : memref<4x32x256xf32, #tpu.memory_space<vmem>>, vector<1x1x16xf32>,
      %get3A_378 = vector.shape_cast %get3A_377 : vector<1x1x16xf32> to vector<16xf32>
      %sub3A_379 = arith.subf %get3A_372, %get3A_378 : vector<16xf32>
      %mul3A_380 = arith.mulf %sub3A_379, %sub3A_379 : vector<16xf32>
      %add3A_381 = arith.addf %add3A_321, %mul3A_380 : vector<16xf32>
      %add3A_382 = arith.constant 96 : i32
      %add3A_383 = arith.addi %add3A_382, %scan3A_199 : i32
      %get3A_384 = arith.index_cast %add3A_383 : i32 to index
      %get3A_385 = arith.constant 192 : index
      %get3A_386 = tpu.vector_load %arg8[%get3A_384, %get3A_385] {strides = array<i32>} : memref<128x256xf32, #tpu.memory_space<vmem>>, vector<1x16xf32>,
      %get3A_387 = vector.shape_cast %get3A_386 : vector<1x16xf32> to vector<16xf32>
      %get3A_388 = arith.constant 3 : i32
      %get3A_389 = arith.index_cast %get3A_388 : i32 to index
      %get3A_390 = arith.index_cast %scan3A_199 : i32 to index
      %get3A_391 = arith.constant 192 : index
      %get3A_392 = tpu.vector_load %arg7[%get3A_389, %get3A_390, %get3A_391] {strides = array<i32>} : memref<4x32x256xf32, #tpu.memory_space<vmem>>, vector<1x1x16xf32>,
      %get3A_393 = vector.shape_cast %get3A_392 : vector<1x1x16xf32> to vector<16xf32>
      %sub3A_394 = arith.subf %get3A_387, %get3A_393 : vector<16xf32>
      %mul3A_395 = arith.mulf %sub3A_394, %sub3A_394 : vector<16xf32>
      %add3A_396 = arith.addf %add3A_336, %mul3A_395 : vector<16xf32>
      %add3A_397 = arith.constant 96 : i32
      %add3A_398 = arith.addi %add3A_397, %scan3A_199 : i32
      %get3A_399 = arith.index_cast %add3A_398 : i32 to index
      %get3A_400 = arith.constant 208 : index
      %get3A_401 = tpu.vector_load %arg8[%get3A_399, %get3A_400] {strides = array<i32>} : memref<128x256xf32, #tpu.memory_space<vmem>>, vector<1x16xf32>,
      %get3A_402 = vector.shape_cast %get3A_401 : vector<1x16xf32> to vector<16xf32>
      %get3A_403 = arith.constant 3 : i32
      %get3A_404 = arith.index_cast %get3A_403 : i32 to index
      %get3A_405 = arith.index_cast %scan3A_199 : i32 to index
      %get3A_406 = arith.constant 208 : index
      %get3A_407 = tpu.vector_load %arg7[%get3A_404, %get3A_405, %get3A_406] {strides = array<i32>} : memref<4x32x256xf32, #tpu.memory_space<vmem>>, vector<1x1x16xf32>,
      %get3A_408 = vector.shape_cast %get3A_407 : vector<1x1x16xf32> to vector<16xf32>
      %sub3A_409 = arith.subf %get3A_402, %get3A_408 : vector<16xf32>
      %mul3A_410 = arith.mulf %sub3A_409, %sub3A_409 : vector<16xf32>
      %add3A_411 = arith.addf %add3A_351, %mul3A_410 : vector<16xf32>
      %add3A_412 = arith.constant 96 : i32
      %add3A_413 = arith.addi %add3A_412, %scan3A_199 : i32
      %get3A_414 = arith.index_cast %add3A_413 : i32 to index
      %get3A_415 = arith.constant 224 : index
      %get3A_416 = tpu.vector_load %arg8[%get3A_414, %get3A_415] {strides = array<i32>} : memref<128x256xf32, #tpu.memory_space<vmem>>, vector<1x16xf32>,
      %get3A_417 = vector.shape_cast %get3A_416 : vector<1x16xf32> to vector<16xf32>
      %get3A_418 = arith.constant 3 : i32
      %get3A_419 = arith.index_cast %get3A_418 : i32 to index
      %get3A_420 = arith.index_cast %scan3A_199 : i32 to index
      %get3A_421 = arith.constant 224 : index
      %get3A_422 = tpu.vector_load %arg7[%get3A_419, %get3A_420, %get3A_421] {strides = array<i32>} : memref<4x32x256xf32, #tpu.memory_space<vmem>>, vector<1x1x16xf32>,
      %get3A_423 = vector.shape_cast %get3A_422 : vector<1x1x16xf32> to vector<16xf32>
      %sub3A_424 = arith.subf %get3A_417, %get3A_423 : vector<16xf32>
      %mul3A_425 = arith.mulf %sub3A_424, %sub3A_424 : vector<16xf32>
      %add3A_426 = arith.addf %add3A_366, %mul3A_425 : vector<16xf32>
      %add3A_427 = arith.constant 96 : i32
      %add3A_428 = arith.addi %add3A_427, %scan3A_199 : i32
      %get3A_429 = arith.index_cast %add3A_428 : i32 to index
      %get3A_430 = arith.constant 240 : index
      %get3A_431 = tpu.vector_load %arg8[%get3A_429, %get3A_430] {strides = array<i32>} : memref<128x256xf32, #tpu.memory_space<vmem>>, vector<1x16xf32>,
      %get3A_432 = vector.shape_cast %get3A_431 : vector<1x16xf32> to vector<16xf32>
      %get3A_433 = arith.constant 3 : i32
      %get3A_434 = arith.index_cast %get3A_433 : i32 to index
      %get3A_435 = arith.index_cast %scan3A_199 : i32 to index
      %get3A_436 = arith.constant 240 : index
      %get3A_437 = tpu.vector_load %arg7[%get3A_434, %get3A_435, %get3A_436] {strides = array<i32>} : memref<4x32x256xf32, #tpu.memory_space<vmem>>, vector<1x1x16xf32>,
      %get3A_438 = vector.shape_cast %get3A_437 : vector<1x1x16xf32> to vector<16xf32>
      %sub3A_439 = arith.subf %get3A_432, %get3A_438 : vector<16xf32>
      %mul3A_440 = arith.mulf %sub3A_439, %sub3A_439 : vector<16xf32>
      %add3A_441 = arith.addf %add3A_381, %mul3A_440 : vector<16xf32>
      scf.yield %add3A_396, %add3A_411, %add3A_426, %add3A_441 : vector<16xf32>, vector<16xf32>, vector<16xf32>, vector<16xf32>
    }
    %scan3A_192 = arith.constant 32 : i32
    %add3A_193 = arith.addf %scan3A_191#0, %scan3A_191#1 : vector<16xf32>
    %add3A_194 = arith.addf %scan3A_191#2, %scan3A_191#3 : vector<16xf32>
    %add3A_195 = arith.addf %add3A_193, %add3A_194 : vector<16xf32>
    %swap3A = arith.constant 0 : index
    %swap3A_196 = tpu.vector_load %arg9[%swap3A] {strides = array<i32>} : memref<16xf32, #tpu.memory_space<vmem>>, vector<16xf32>,
    %swap3A_197 = vector.shape_cast %swap3A_196 : vector<16xf32> to vector<16xf32>
    %swap3A_198 = vector.shape_cast %add3A_195 : vector<16xf32> to vector<16xf32>
    tpu.vector_store %arg9[%swap3A], %swap3A_198 {strides = array<i32>} : memref<16xf32, #tpu.memory_space<vmem>>, vector<16xf32>,
    "tpu.region"() ({
      %run_scoped3A = tpu.sem_alloc : memref<!tpu.dma_semaphore, #tpu.memory_space<semaphore_mem>>
      %dma_start3A_199 = arith.constant 0 : i32
      %dma_start3A_200 = tpu.memref_slice %arg5[%add3A, %dma_start3A_199] : memref<32x16xf32, #tpu.memory_space<hbm>> -> memref<1x16xf32, #tpu.memory_space<hbm>>
      %dma_start3A_201 = tpu.memref_squeeze %dma_start3A_200 : memref<1x16xf32, #tpu.memory_space<hbm>> -> memref<16xf32, #tpu.memory_space<hbm>>
      %dma_start3A_202 = arith.constant 0 : i32
      %dma_start3A_203 = tpu.memref_slice %arg5[%add3A, %dma_start3A_202] : memref<32x16xf32, #tpu.memory_space<hbm>> -> memref<1x16xf32, #tpu.memory_space<hbm>>
      %dma_start3A_204 = tpu.memref_squeeze %dma_start3A_203 : memref<1x16xf32, #tpu.memory_space<hbm>> -> memref<16xf32, #tpu.memory_space<hbm>>
      tpu.enqueue_dma source(%arg9 : memref<16xf32, #tpu.memory_space<vmem>>) target(%dma_start3A_204 : memref<16xf32, #tpu.memory_space<hbm>>) target_semaphore(%run_scoped3A : memref<!tpu.dma_semaphore, #tpu.memory_space<semaphore_mem>>)
      %dma_wait3A_205 = arith.constant 0 : i32
      %dma_wait3A_206 = tpu.memref_slice %arg5[%add3A, %dma_wait3A_205] : memref<32x16xf32, #tpu.memory_space<hbm>> -> memref<1x16xf32, #tpu.memory_space<hbm>>
      %dma_wait3A_207 = tpu.memref_squeeze %dma_wait3A_206 : memref<1x16xf32, #tpu.memory_space<hbm>> -> memref<16xf32, #tpu.memory_space<hbm>>
      %dma_wait3A_208 = arith.constant 0 : i32
      %dma_wait3A_209 = tpu.memref_slice %arg5[%add3A, %dma_wait3A_208] : memref<32x16xf32, #tpu.memory_space<hbm>> -> memref<1x16xf32, #tpu.memory_space<hbm>>
      %dma_wait3A_210 = tpu.memref_squeeze %dma_wait3A_209 : memref<1x16xf32, #tpu.memory_space<hbm>> -> memref<16xf32, #tpu.memory_space<hbm>>
      tpu.wait_dma2 semaphore(%run_scoped3A : memref<!tpu.dma_semaphore, #tpu.memory_space<semaphore_mem>>) src(%arg9 : memref<16xf32, #tpu.memory_space<vmem>>) dst(%dma_wait3A_210 : memref<16xf32, #tpu.memory_space<hbm>>)
      tpu.yield
    }) : () -> ()
    return
  }
}

</mosaic_0001>

<sc_bundles>
// kernel: kernel.3.cloned.1.call-start
scs
__scs_entry_jumppad:
0x0: {  	(pc) =	sbr.rel $0x88, $3  }
0x1: {  	(tag) =	ssettag $0x0;
	lr =	simm.s32 $0x1  }
0x2: {  	[smem:$0x3F9E] =	sst lr;
	_ =	strace $0xD0000000  }
0x3: {  	_ = 	snop  }
0x4: {  	_ = 	snop  }
0x5: {  	_ = 	snop  }
0x6: {  	_ = 	snop  }
0x7: {  	_ = 	snop  }
__scs_overlays_trampoline_lowered:
0x8: {  	[smem:$0x3FAD] =	sst s0  }
0x9: {  	[smem:$0x3FAE] =	sst s1  }
0xa: {  	[smem:$0x3FAF] =	sst s2  }
0xb: {  	[smem:$0x3FB0] =	sst s3  }
0xc: {  	[smem:$0x3FB1] =	sst s4  }
0xd: {  	[smem:$0x3FB2] =	sst s5  }
0xe: {  	[smem:$0x3FB3] =	sst s6  }
0xf: {  	[smem:$0x3FB4] =	sst s7  }
0x10: {  	[smem:$0x3FB5] =	sst s8  }
0x11: {  	[smem:$0x3FB6] =	sst s9;
	s0 =	simm.s32 @!p0 $0x0  }
0x12: {  	s1 =	sld [smem:$0x3F9C];
	s0 =	simm.s32 @p0 $0x1  }
0x13: {  	[smem:$0x3FB7] =	sst s0;
	s0 =	simm.s32 @!p1 $0x0  }
0x14: {  	s2 =	sld [smem:$0x3F9B];
	s0 =	simm.s32 @p1 $0x1  }
0x15: {  	[smem:$0x3FB8] =	sst s0;
	s0 =	simm.s32 @!p2 $0x0  }
0x16: {  	s3 =	sld [smem:$0x3FDB];
	s0 =	simm.s32 @p2 $0x1  }
0x17: {  	s4 =	simm.s32 $0x1BF5;
	[smem:$0x3FBA] =	sst s0  }
0x18: {  	s0 =	sld [smem:$0x3F9D];
	_ =	swait.ge [sflag:s4], $0x0  }
0x19: {  	s7 =	sld [smem:$0x3F9E]  }
0x1a: {  	s8 =	sadd.s32 $0xFFFFE003, lr  }
0x1b: {  	s9 =	sadd.s32 $0xFFFFFEF7, lr;
	s5 =	simm.s32 $0xFFFFFFFF;
	p2 =	slt.u32 s8, $0xFFFFF086  }
0x1c: {  	p1 =	slt.u32 s9, $0xF7A;
	s5 =	simm.s32 @!p2 $0x0  }
0x1d: {  	s5 =	simm.s32 @p1 $0x1;
	p0 =	seq.s32 s7, s2  }
0x1e: {  	s7 =	smul.u32 @!p0 $0xF7A, s2;
	p2 =	seq.s32 @!p0 s5, $0x0  }
0x1f: {  	s9 =	smul.u32 $0xF7A, s1;
	s8 =	simm.s32 @!p0 $0x1BF5;
	p2 =	por !p2, p0  }
0x20: {  	[sflag:s8] =	ssyncset.s32 @!p0 $0xFFFFF086;
	s6 =	sadd.s32 @!p0 s3, s7;
	s7 =	simm.s32 @!p0 $0x108  }
0x21: {  	s3 =	sadd.s32 s3, s9;
	s6 =	sadd.s32 @!p0 $0x88, s6;
	s7 =	simm.s32 @p2 $0x1082  }
0x22: {  	[simem:s7], [sflag:s8] =	dma.local @!p0 [hbm:s6], $0xF7A  }
0x23: {  	s9 =	sor.u32 $0xD0000000, s2;
	s6 =	simm.s32 $0x108;
	_ =	swait.ge @!p0 [sflag:s8], $0x0  }
0x24: {  	s3 =	sadd.s32 $0x88, s3;
	s6 =	simm.s32 @!p1 $0x1082;
	[sflag:s4] =	ssyncset.s32 $0xFFFFF086  }
0x25: {  	[simem:s6], [sflag:s4] =	dma.local [hbm:s3], $0xF7A  }
0x26: {  	[smem:$0x3F9E] =	sst s1;
	(tag) =	ssettag s2;
	_ =	strace s9  }
0x27: {  	s1 =	sld [smem:$0x3FAE]  }
0x28: {  	s2 =	sld [smem:$0x3FAF]  }
0x29: {  	s4 =	sld [smem:$0x3FB1]  }
0x2a: {  	p0 =	seq.s32 s5, $0x0;
	s5 =	sld [smem:$0x3FB2]  }
0x2b: {  	s6 =	sld [smem:$0x3FB3]  }
0x2c: {  	s7 =	sld [smem:$0x3FB4]  }
0x2d: {  	s3 =	simm.s32 $0x108;
	s8 =	sld [smem:$0x3FB5]  }
0x2e: {  	s3 =	simm.s32 @!p0 $0x1082;
	s9 =	sld [smem:$0x3FB6]  }
0x2f: {  	lr =	sadd.s32 s0, s3;
	s0 =	sld [smem:$0x3FAD]  }
0x30: {  	s3 =	sld [smem:$0x3FB0]  }
0x31: {  	[smem:$0x3FB9] =	sst s10  }
0x32: {  	s10 =	sld [smem:$0x3FB7];
	_ =	sdelay $0x3  }
0x33: {  	p0 =	seq.s32 s10, $0x1;
	s10 =	sld [smem:$0x3FB9];
	_ =	sdelay $0x3  }
0x34: {  	[smem:$0x3FB9] =	sst s10  }
0x35: {  	s10 =	sld [smem:$0x3FB8];
	_ =	sdelay $0x3  }
0x36: {  	p1 =	seq.s32 s10, $0x1;
	s10 =	sld [smem:$0x3FB9];
	_ =	sdelay $0x3  }
0x37: {  	[smem:$0x3FB9] =	sst s10  }
0x38: {  	s10 =	sld [smem:$0x3FBA]  }
0x39: {  	_ = 	snop;
	(pc) =	sbr.ind lr, $3  }
0x3a: {  	_ = 	snop  }
0x3b: {  	_ = 	snop  }
0x3c: {  	p2 =	seq.s32 s10, $0x1;
	s10 =	sld [smem:$0x3FB9]  }
0x3d: {  	_ =	shalt  }
0x3e: {  	_ =	shalt  }
0x3f: {  	_ =	shalt  }
0x40: {  	_ =	shalt  }
0x41: {  	_ =	shalt  }
0x42: {  	_ =	shalt  }
0x43: {  	_ =	shalt  }
0x44: {  	_ =	shalt  }
0x45: {  	_ =	shalt  }
0x46: {  	_ =	shalt  }
0x47: {  	_ =	shalt  }
0x48: {  	_ =	shalt  }
0x49: {  	_ =	shalt  }
0x4a: {  	_ =	shalt  }
0x4b: {  	_ =	shalt  }
0x4c: {  	_ =	shalt  }
0x4d: {  	_ =	shalt  }
0x4e: {  	_ =	shalt  }
0x4f: {  	_ =	shalt  }
0x50: {  	_ =	shalt  }
0x51: {  	_ =	shalt  }
0x52: {  	_ =	shalt  }
0x53: {  	_ =	shalt  }
0x54: {  	_ =	shalt  }
0x55: {  	_ =	shalt  }
0x56: {  	_ =	shalt  }
0x57: {  	_ =	shalt  }
0x58: {  	_ =	shalt  }
0x59: {  	_ =	shalt  }
0x5a: {  	_ =	shalt  }
0x5b: {  	_ =	shalt  }
0x5c: {  	_ =	shalt  }
0x5d: {  	_ =	shalt  }
0x5e: {  	_ =	shalt  }
0x5f: {  	_ =	shalt  }
0x60: {  	_ =	shalt  }
0x61: {  	_ =	shalt  }
0x62: {  	_ =	shalt  }
0x63: {  	_ =	shalt  }
0x64: {  	_ =	shalt  }
0x65: {  	_ =	shalt  }
0x66: {  	_ =	shalt  }
0x67: {  	_ =	shalt  }
0x68: {  	_ =	shalt  }
0x69: {  	_ =	shalt  }
0x6a: {  	_ =	shalt  }
0x6b: {  	_ =	shalt  }
0x6c: {  	_ =	shalt  }
0x6d: {  	_ =	shalt  }
0x6e: {  	_ =	shalt  }
0x6f: {  	_ =	shalt  }
0x70: {  	_ =	shalt  }
0x71: {  	_ =	shalt  }
0x72: {  	_ =	shalt  }
0x73: {  	_ =	shalt  }
0x74: {  	_ =	shalt  }
0x75: {  	_ =	shalt  }
0x76: {  	_ =	shalt  }
0x77: {  	_ =	shalt  }
0x78: {  	_ =	shalt  }
0x79: {  	_ =	shalt  }
0x7a: {  	_ =	shalt  }
0x7b: {  	_ =	shalt  }
0x7c: {  	_ =	shalt  }
0x7d: {  	_ =	shalt  }
0x7e: {  	_ =	shalt  }
0x7f: {  	_ =	shalt  }
0x80: {  	_ =	shalt  }
0x81: {  	_ =	shalt  }
0x82: {  	_ =	shalt  }
0x83: {  	_ =	shalt  }
0x84: {  	_ =	shalt  }
0x85: {  	_ =	shalt  }
0x86: {  	_ =	shalt  }
0x87: {  	_ =	shalt  }
.Lfunc_end0:
.L_simem_size_0:
called_computation_lowered:
.L_overlay_start_0:
0x88: {  	s2 =	sld [smem:$0x3FD9]  }
0x89: {  	s3 =	sld [smem:$0x3FFE];
	_ =	sdelay $0x1  }
0x8a: {  	s1 =	srdreg.scid  }
0x8b: {  	s0 =	sand.u32 $0x1, s1  }
0x8c: {  	s17 =	sshll.u32 s0, $0xA;
	s2 =	sadd.s32 s3, s2  }
0x8d: {  	s2 =	sadd.s32 s2, s17  }
0x8e: {  	[smem:$0x3FC5] =	sst s2  }
0x8f: {  	_ = 	snop  }
0x90: {  	s2 =	sld [smem:$0x3FC9]  }
0x91: {  	s18 =	sld [smem:$0x3FC8]  }
0x92: {  	s4 =	sld [smem:$0x3FC7];
	(tm) =	ssettm $0x1  }
0x93: {  	s5 =	sld [smem:$0x3FFB];
	_ =	sdelay $0x3  }
0x94: {  	_ =	strace s5  }
0x95: {  	s5 =	sld [smem:$0x3FFC];
	_ =	sdelay $0x3  }
0x96: {  	_ =	strace s5  }
0x97: {  	s5 =	sld [smem:$0x3FFD];
	_ =	sdelay $0x3  }
0x98: {  	_ =	strace s5  }
0x99: {  	_ =	strace $0x8FFFFFFF  }
0x9a: {  	s19 =	sld [smem:$0x3FDB];
	_ =	sdelay $0x1  }
0x9b: {  	s6 =	simm.s32 $_scs_section_size  }
0x9c: {  	s7 =	simm.s32 $_size__tile_overlayer_lowered;
	s8 =	simm.s32 $_tile_overlayer_lowered  }
0x9d: {  	s22 =	simm.s32 $0x1BFF;
	s21 =	sshll.u32 s8, $0x1;
	s5 =	sadd.s32 s6, s19  }
0x9e: {  	s9 =	simm.s32 $0x0;
	s20 =	sshll.u32 s7, $0x1;
	s7 =	sadd.s32 s21, s5  }
0x9f: {  	[timem:s9], [sflag:s22] =	dma.local [hbm:s7], s20  }
0xa0: {  	_ =	swait.ge [sflag:s22], s20  }
0xa1: {  	s6 =	ssub.s32 $0x0, s20;
	[sflag:s22] =	ssyncset.done $0x0  }
0xa2: {  	[sflag:s22] =	ssyncadd.s32 s6;
	_ =	sdelay $0x1  }
0xa3: {  	s23 =	simm.s32 $0x1B8B  }
0xa4: {  	_ =	swait.ge [sflag:s23], $0x1  }
0xa5: {  	[sflag:s23] =	ssyncset.done $0x0  }
0xa6: {  	s25 =	simm.s32 $0x1B8E;
	s24 =	sld [smem:$0x3FFE];
	[sflag:s23] =	ssyncadd.s32 $0xFFFFFFFF  }
0xa7: {  	s26 =	simm.s32 $execute0_lowered;
	[smem:$0x3FD2] =	sst s25  }
0xa8: {  	s7 =	sshll.u32 s26, $0x1;
	_ =	strace $0x80000046;
	[dreg:$0x1] =	wrdreg $0xFFFFFFFF  }
0xa9: {  	s28 =	simm.s32 $_size_execute0_lowered;
	s5 =	sadd.s32 s5, s7;
	[dreg:$0x0] =	wrdreg $0x0  }
0xaa: {  	s7 =	sshll.u32 s28, $0x1;
	[dreg:$0x2] =	wrdreg s5  }
0xab: {  	[dreg:$0x3] =	wrdreg s7  }
0xac: {  	[dreg:$0x4] =	wrdreg $0xC0  }
0xad: {  	_ =	task [dreg:s9], $0x5FFFF  }
0xae: {  	[dreg:$0x1] =	wrdreg $0xFFFFFFFF  }
0xaf: {  	[dreg:$0x0] =	wrdreg $0x60  }
0xb0: {  	[dreg:$0x2] =	wrdreg s2  }
0xb1: {  	[dreg:$0x3] =	wrdreg s18  }
0xb2: {  	[dreg:$0x4] =	wrdreg s4  }
0xb3: {  	[dreg:$0x5] =	wrdreg s24  }
0xb4: {  	[dreg:$0x6] =	wrdreg $0x9  }
0xb5: {  	_ =	task.clear_ibuf [dreg:s9], $0x7FFFF;
	_ =	strace $0x90000046  }
0xb6: {  	s29 =	simm.s32 $0x9;
	_ =	strace $0x80000048  }
0xb7: {  	_ =	swait.ge [sflag:s29], $0x1  }
0xb8: {  	[sflag:s29] =	ssyncadd.s32 $0xFFFFFFFF  }
0xb9: {  	_ =	strace $0x90000048  }
0xba: {  	_ =	sfence  }
0xbb: {  	s30 =	sld [smem:$0x0];
	_ =	sdelay $0x2  }
0xbc: {  	s31 =	sshll.u32 s1, $0xD;
	s1 =	sshrl.u32 s1, $0x2  }
0xbd: {  	s3 =	sand.u32 $0x4000, s31;
	s1 =	sadd.s32 s1, s30  }
0xbe: {  	s0 =	sor.u32 s3, s0;
	s1 =	sshll.u32 s1, $0x11  }
0xbf: {  	s0 =	sor.u32 s1, s0  }
0xc0: {  	s0 =	sadd.s32 $0x8F2B, s0  }
0xc1: {  	[sflag:s0] =	ssyncadd.remote.s32 $0x1  }
0xc2: {  	_ =	sfence.sel $0xFFFF  }
0xc3: {  	[dreg:$0x0] =	wrdreg $0xFFFFFFFF;
	(pc) =	sbr.abs _section_cstart, $3  }
0xc4: {  	[dreg:$0x1] =	wrdreg $0xFFFFFFFF  }
0xc5: {  	_ =	task.clear_ibuf [dreg:s9], $0x2FFFF;
	_ =	strace $0x9FFFFFFF  }
0xc6: {  	(tm) =	ssettm $0x7FFFFFFF  }
0xc7: {  	_ =	shalt  }
tec
execute0_lowered:
.L_overlay_start_1:
0x0: {  	(tag) =	ssettag $0x1  }
0x1: {  	s0 =	rddreg [dreg:$0x0]  }
0x2: {  	s1 =	rddreg [dreg:$0x1]  }
0x3: {  	s2 =	rddreg [dreg:$0x2]  }
0x4: {  	s9 =	rddreg [dreg:$0x3];
	s4 =	srdreg.scid  }
0x5: {  	s5 =	stileid.u32;
	s3 =	simm.s32 $0x0;
	s13 =	simm.s32 $0x5  }
0x6: {  	s18 =	simm.s32 $0x1;
	s23 =	simm.s32 $0xC080;
	s24 =	simm.s32 $0x2  }
0x7: {  	s28 =	simm.s32 $0x5080;
	s29 =	simm.s32 $0x5880;
	s30 =	simm.s32 $0xE080  }
0x8: {  	s31 =	simm.s32 $0x3;
	s11 =	simm.s32 $0x7080;
	s12 =	simm.s32 $0x7880  }
0x9: {  	s14 =	simm.s32 $0x4;
	s15 =	simm.s32 $0x10080;
	s16 =	simm.s32 $0x0  }
0xa: {  	s4 =	sand.u32 $0x1, s4;
	s5 =	sshll.u32 s5, $0x1;
	[smem:$0x7FF] =	sst s3  }
0xb: {  	s6 =	ssub.s32 $0x2, s4;
	s5 =	sor.u32 s4, s5;
	_ =	strace $0x80000047  }
0xc: {  	s25 =	sshrl.u32 s6, $0x1;
	s7 =	sshll.u32 s5, $0xC;
	s26 =	sshll.u32 s5, $0x4  }
0xd: {  	s10 =	ssub.s32 s6, s25;
	s4 =	sadd.s32 s0, s7;
	s6 =	sadd.s32 s1, s26  }
0xe: {  	v2 =	vlaneseq.u32;
	s9 =	sadd.s32 s9, s26;
	s25 =	simm.s32 $0x4080;
	s26 =	simm.s32 $0x4880  }
0xf: {  	vm0 =	vmmov $0xffff;
	v1 =	vshrl.u32 v2, $0x3;
	s0 =	simm.s32 $0x6080;
	s1 =	simm.s32 $0x6880;
	s5 =	sadd.s32 $0x400, s4  }
0x10: {  	v0 =	vand.u32 $0x7, v2;
	v2 =	vor.u32 $0x8, v2;
	v1 =	vmul.u32 $0x8, v1;
	s7 =	sadd.s32 $0x800, s4;
	s8 =	sadd.s32 $0xC00, s4;
	s10 =	smax.u32 s10, $0x1  }
.LBB2_1:
0x11: {  	s17 =	simm.s32 $0x8080  }
0x12: {  	[tilespmem:s17], [sflag:$0x1] =	stream.linear.gather [hbm4b:s4+s3], $0x2000, $0x38;
	[tilespmem:$0x10100] =	vst v63  }
0x13: {  	s21 =	simm.s32 $0xA080  }
0x14: {  	[tilespmem:s21], [sflag:$0x2] =	stream.linear.gather [hbm4b:s5+s3], $0x2000, $0x38;
	[tilespmem:$0x10100] =	vst v63  }
0x15: {  	_ = 	snop  }
0x16: {  	[tilespmem:s3], [sflag:$0x5] =	stream.linear.gather [hbm4b:s6+s3], $0x80, $0x38;
	[tilespmem:$0x10100] =	vst v63  }
0x17: {  	_ =	swait.ge [sflag:s13], $0x80  }
0x18: {  	[sflag:s13] =	ssyncset.done $0x0  }
0x19: {  	[sflag:s13] =	ssyncadd.s32 $0xFFFFFF80  }
0x1a: {  	v3 =	vld [tilespmem:$0x0];
	_ =	sdelay $0x4  }
0x1b: {  	v4 =	vshll.u32 v3, $0x1  }
0x1c: {  	v3 =	vand.u32 $0x7, v3;
	v4 =	vand.u32 $0xFFFFFFF0, v4  }
0x1d: {  	v3 =	vor.u32 v3, v4  }
0x1e: {  	v4 =	vperm.xlane v3, v0;
	_ =	sdelay $0x1  }
0x1f: {  	v3 =	vperm.xlane v3, v2;
	v4 =	vadd.s32 v1, v4;
	_ =	sdelay $0x1  }
0x20: {  	v3 =	vadd.s32 v1, v3;
	_ =	sdelay $0x1  }
0x21: {  	s22 =	simm.s32 $0x80  }
0x22: {  	[tilespmem:s22], [sflag:$0x1] =	stream.indirect_vreg.gather [hbm4b:s2+s3], $0x80, v4, vm0, $0xb8;
	[tilespmem:$0x10100] =	vst v63  }
0x23: {  	s19 =	simm.s32 $0x880  }
0x24: {  	[tilespmem:s19], [sflag:$0x1] =	stream.indirect_vreg.gather [hbm4b:s2+s3], $0x80, v3, vm0, $0xb8;
	[tilespmem:$0x10100] =	vst v63  }
0x25: {  	v3 =	vld [tilespmem:$0x10];
	_ =	sdelay $0x4  }
0x26: {  	v4 =	vshll.u32 v3, $0x1  }
0x27: {  	v3 =	vand.u32 $0x7, v3;
	v4 =	vand.u32 $0xFFFFFFF0, v4  }
0x28: {  	v3 =	vor.u32 v3, v4  }
0x29: {  	v4 =	vperm.xlane v3, v0;
	_ =	sdelay $0x1  }
0x2a: {  	v3 =	vperm.xlane v3, v2;
	v4 =	vadd.s32 v1, v4;
	_ =	sdelay $0x1  }
0x2b: {  	v3 =	vadd.s32 v1, v3;
	_ =	sdelay $0x1  }
0x2c: {  	s20 =	simm.s32 $0x1080  }
0x2d: {  	[tilespmem:s20], [sflag:$0x1] =	stream.indirect_vreg.gather [hbm4b:s2+s3], $0x80, v4, vm0, $0xb8;
	[tilespmem:$0x10100] =	vst v63  }
0x2e: {  	s21 =	simm.s32 $0x1880  }
0x2f: {  	[tilespmem:s21], [sflag:$0x1] =	stream.indirect_vreg.gather [hbm4b:s2+s3], $0x80, v3, vm0, $0xb8;
	[tilespmem:$0x10100] =	vst v63  }
0x30: {  	_ =	swait.ge [sflag:s18], $0x2000  }
0x31: {  	[sflag:s18] =	ssyncset.done $0x0  }
0x32: {  	[sflag:s18] =	ssyncadd.s32 $0xFFFFE000  }
0x33: {  	_ =	swait.ge [sflag:s18], $0x2000  }
0x34: {  	[sflag:s18] =	ssyncset.done $0x0  }
0x35: {  	[sflag:s18] =	ssyncadd.s32 $0xFFFFE000  }
0x36: {  	v3 =	vld [tilespmem:$0x20];
	_ =	sdelay $0x4  }
0x37: {  	v4 =	vshll.u32 v3, $0x1  }
0x38: {  	v3 =	vand.u32 $0x7, v3;
	v4 =	vand.u32 $0xFFFFFFF0, v4  }
0x39: {  	v3 =	vor.u32 v3, v4  }
0x3a: {  	v4 =	vperm.xlane v3, v0;
	_ =	sdelay $0x1  }
0x3b: {  	v3 =	vperm.xlane v3, v2;
	v4 =	vadd.s32 v1, v4;
	_ =	sdelay $0x1  }
0x3c: {  	v3 =	vadd.s32 v1, v3;
	_ =	sdelay $0x1  }
0x3d: {  	s22 =	simm.s32 $0x2080  }
0x3e: {  	[tilespmem:s22], [sflag:$0x2] =	stream.indirect_vreg.gather [hbm4b:s2+s3], $0x80, v4, vm0, $0xb8;
	[tilespmem:$0x10100] =	vst v63  }
0x3f: {  	s19 =	simm.s32 $0x2880  }
0x40: {  	[tilespmem:s19], [sflag:$0x2] =	stream.indirect_vreg.gather [hbm4b:s2+s3], $0x80, v3, vm0, $0xb8;
	[tilespmem:$0x10100] =	vst v63  }
0x41: {  	v3 =	vld [tilespmem:$0x30];
	_ =	sdelay $0x4  }
0x42: {  	v4 =	vshll.u32 v3, $0x1  }
0x43: {  	v3 =	vand.u32 $0x7, v3;
	v4 =	vand.u32 $0xFFFFFFF0, v4  }
0x44: {  	v3 =	vor.u32 v3, v4  }
0x45: {  	v4 =	vperm.xlane v3, v0;
	_ =	sdelay $0x1  }
0x46: {  	v3 =	vperm.xlane v3, v2;
	v4 =	vadd.s32 v1, v4;
	_ =	sdelay $0x1  }
0x47: {  	v3 =	vadd.s32 v1, v3;
	_ =	sdelay $0x1  }
0x48: {  	s20 =	simm.s32 $0x3080  }
0x49: {  	[tilespmem:s20], [sflag:$0x2] =	stream.indirect_vreg.gather [hbm4b:s2+s3], $0x80, v4, vm0, $0xb8;
	[tilespmem:$0x10100] =	vst v63  }
0x4a: {  	s21 =	simm.s32 $0x3880;
	s22 =	sand.u32 $0x1800, s3;
	s19 =	sand.u32 $0x380, s3  }
0x4b: {  	[tilespmem:s21], [sflag:$0x2] =	stream.indirect_vreg.gather [hbm4b:s2+s3], $0x80, v3, vm0, $0xb8;
	[tilespmem:$0x10100] =	vst v63  }
0x4c: {  	s17 =	sor.u32 s19, s22  }
0x4d: {  	[tilespmem:s23], [sflag:$0x3] =	stream.linear.gather [hbm4b:s7+s3], $0x2000, $0x38;
	[tilespmem:$0x10100] =	vst v63  }
0x4e: {  	v3 =	vld [tilespmem:s17+$0x84C0]  }
0x4f: {  	v4 =	vld [tilespmem:s17+$0x4C0]  }
0x50: {  	v5 =	vld [tilespmem:s17+$0x84D0]  }
0x51: {  	v6 =	vld [tilespmem:s17+$0x4D0]  }
0x52: {  	v8 =	vld [tilespmem:s17+$0x84E0]  }
0x53: {  	v9 =	vld [tilespmem:s17+$0x4E0]  }
0x54: {  	v12 =	vld [tilespmem:s17+$0x84F0]  }
0x55: {  	v13 =	vld [tilespmem:s17+$0x4F0]  }
0x56: {  	v11 =	vld [tilespmem:s17+$0x8480]  }
0x57: {  	v16 =	vld [tilespmem:s17+$0x480]  }
0x58: {  	v15 =	vld [tilespmem:s17+$0x8490]  }
0x59: {  	v18 =	vld [tilespmem:s17+$0x490]  }
0x5a: {  	v20 =	vld [tilespmem:s17+$0x84A0]  }
0x5b: {  	v24 =	vld [tilespmem:s17+$0x4A0]  }
0x5c: {  	v19 =	vld [tilespmem:s17+$0x84B0]  }
0x5d: {  	v21 =	vld [tilespmem:s17+$0x4B0]  }
0x5e: {  	v27 =	vld [tilespmem:s17+$0x80C0]  }
0x5f: {  	v28 =	vld [tilespmem:s17+$0xC0]  }
0x60: {  	v22 =	vld [tilespmem:s17+$0x80D0]  }
0x61: {  	v23 =	vld [tilespmem:s17+$0xD0]  }
0x62: {  	v14 =	vld [tilespmem:s17+$0x80E0]  }
0x63: {  	v17 =	vld [tilespmem:s17+$0xE0]  }
0x64: {  	v30 =	vld [tilespmem:s17+$0x8080]  }
0x65: {  	v33 =	vld [tilespmem:s17+$0x80]  }
0x66: {  	v29 =	vld [tilespmem:s17+$0x8090]  }
0x67: {  	v7 =	vimm.f32 $0.0e+00;
	v32 =	vld [tilespmem:s17+$0x90]  }
0x68: {  	v10 =	vimm.f32 $0.0e+00;
	v31 =	vld [tilespmem:s17+$0x80A0];
	v25 =	vsub.f32 v3, v4;
	v26 =	vsub.f32 v5, v6  }
0x69: {  	s19 =	simm.s32 $0x100;
	s20 =	simm.s32 $0x0;
	v34 =	vld [tilespmem:s17+$0xA0];
	v5 =	vsub.f32 v8, v9;
	v9 =	vimm.f32 $0.0e+00;
	v8 =	vimm.f32 $0.0e+00  }
.LBB2_2:
0x6a: {  	p0 =	sne.s32 s19, $0x1F00;
	v3 =	vld [tilespmem:s17+$0x80B0];
	v4 =	vsub.f32 v11, v16;
	v6 =	vsub.f32 v12, v13  }
0x6b: {  	v12 =	vsub.f32 v15, v18;
	v15 =	vsub.f32 v20, v24;
	s20 =	sadd.s32 $0x80, s20;
	v11 =	vld [tilespmem:s17+$0xB0]  }
0x6c: {  	s21 =	sand.u32 $0x1800, s19;
	v13 =	vsub.f32 v27, v28;
	v18 =	vsub.f32 v19, v21;
	s22 =	sand.u32 $0x380, s20;
	v16 =	vld [tilespmem:s17+$0x80F0]  }
0x6d: {  	v19 =	vsub.f32 v30, v33;
	v20 =	vsub.f32 v22, v23;
	v21 =	vld [tilespmem:s17+$0xF0];
	s17 =	sor.u32 s22, s21  }
0x6e: {  	v23 =	vmul.f32 v25, v25;
	v24 =	vmul.f32 v26, v26;
	v22 =	vsub.f32 v29, v32;
	v35 =	vld [tilespmem:s17+$0x84C0]  }
0x6f: {  	v4 =	vmul.f32 v4, v4;
	v27 =	vmul.f32 v12, v12;
	v26 =	vsub.f32 v31, v34;
	v25 =	vld [tilespmem:s17+$0x4C0]  }
0x70: {  	v20 =	vmul.f32 v20, v20;
	v36 =	vld [tilespmem:s17+$0x84D0];
	v3 =	vsub.f32 v3, v11;
	v11 =	vmul.f32 v13, v13  }
0x71: {  	v14 =	vsub.f32 v14, v17;
	v12 =	vmul.f32 v19, v19;
	v13 =	vmul.f32 v22, v22;
	v37 =	vld [tilespmem:s17+$0x4D0]  }
0x72: {  	v17 =	vmul.f32 v26, v26;
	v38 =	vld [tilespmem:s17+$0x84E0];
	v3 =	vmul.f32 v3, v3;
	v16 =	vsub.f32 v16, v21  }
0x73: {  	v14 =	vmul.f32 v14, v14;
	v7 =	vadd.f32 v12, v7;
	v10 =	vadd.f32 v13, v10;
	v39 =	vld [tilespmem:s17+$0x4E0]  }
0x74: {  	v9 =	vadd.f32 v17, v9;
	v12 =	vld [tilespmem:s17+$0x84F0];
	v3 =	vadd.f32 v3, v8;
	v8 =	vmul.f32 v16, v16  }
0x75: {  	v7 =	vadd.f32 v11, v7;
	v17 =	vmul.f32 v15, v15;
	v10 =	vadd.f32 v20, v10;
	v13 =	vld [tilespmem:s17+$0x4F0]  }
0x76: {  	v9 =	vadd.f32 v14, v9;
	v11 =	vld [tilespmem:s17+$0x8480];
	v3 =	vadd.f32 v8, v3;
	v8 =	vmul.f32 v18, v18  }
0x77: {  	v5 =	vmul.f32 v5, v5;
	v4 =	vadd.f32 v4, v7;
	v10 =	vadd.f32 v27, v10;
	v16 =	vld [tilespmem:s17+$0x480]  }
0x78: {  	v6 =	vmul.f32 v6, v6;
	v9 =	vadd.f32 v17, v9;
	v15 =	vld [tilespmem:s17+$0x8490];
	v3 =	vadd.f32 v8, v3  }
0x79: {  	v7 =	vadd.f32 v23, v4;
	v10 =	vadd.f32 v24, v10;
	v18 =	vld [tilespmem:s17+$0x490]  }
0x7a: {  	v9 =	vadd.f32 v5, v9;
	v20 =	vld [tilespmem:s17+$0x84A0];
	v8 =	vadd.f32 v6, v3  }
0x7b: {  	v24 =	vld [tilespmem:s17+$0x4A0]  }
0x7c: {  	v19 =	vld [tilespmem:s17+$0x84B0]  }
0x7d: {  	v21 =	vld [tilespmem:s17+$0x4B0]  }
0x7e: {  	v27 =	vld [tilespmem:s17+$0x80C0]  }
0x7f: {  	v28 =	vld [tilespmem:s17+$0xC0]  }
0x80: {  	v22 =	vld [tilespmem:s17+$0x80D0]  }
0x81: {  	v23 =	vld [tilespmem:s17+$0xD0]  }
0x82: {  	v14 =	vld [tilespmem:s17+$0x80E0]  }
0x83: {  	v17 =	vld [tilespmem:s17+$0xE0]  }
0x84: {  	v30 =	vld [tilespmem:s17+$0x8080]  }
.Ltmp0:
0x85: {  	v33 =	vld [tilespmem:s17+$0x80];
	(pc) =	sbr.rel @p0 .LBB2_2-.Ltmp0, $4  }
0x86: {  	v29 =	vld [tilespmem:s17+$0x8090]  }
0x87: {  	v32 =	vld [tilespmem:s17+$0x90]  }
0x88: {  	v25 =	vsub.f32 v35, v25;
	v31 =	vld [tilespmem:s17+$0x80A0]  }
0x89: {  	s19 =	sadd.s32 $0x100, s19;
	v26 =	vsub.f32 v36, v37;
	v5 =	vsub.f32 v38, v39;
	v34 =	vld [tilespmem:s17+$0xA0]  }
0x8a: {  	v35 =	vld [tilespmem:s17+$0x80B0]  }
0x8b: {  	v36 =	vld [tilespmem:s17+$0xB0]  }
0x8c: {  	v37 =	vld [tilespmem:s17+$0x80F0]  }
0x8d: {  	v38 =	vld [tilespmem:s17+$0xF0];
	_ =	swait.ge [sflag:s24], $0x2000  }
0x8e: {  	[sflag:s24] =	ssyncset.done $0x0  }
0x8f: {  	[sflag:s24] =	ssyncadd.s32 $0xFFFFE000  }
0x90: {  	_ =	swait.ge [sflag:s24], $0x2000  }
0x91: {  	[sflag:s24] =	ssyncset.done $0x0  }
0x92: {  	[sflag:s24] =	ssyncadd.s32 $0xFFFFE000  }
0x93: {  	v3 =	vld [tilespmem:$0x40];
	_ =	sdelay $0x4  }
0x94: {  	v4 =	vshll.u32 v3, $0x1  }
0x95: {  	v3 =	vand.u32 $0x7, v3;
	v4 =	vand.u32 $0xFFFFFFF0, v4  }
0x96: {  	v3 =	vor.u32 v3, v4  }
0x97: {  	v4 =	vperm.xlane v3, v0;
	_ =	sdelay $0x1  }
0x98: {  	v3 =	vperm.xlane v3, v2;
	v4 =	vadd.s32 v1, v4;
	_ =	sdelay $0x1  }
0x99: {  	v3 =	vadd.s32 v1, v3;
	_ =	sdelay $0x1  }
0x9a: {  	s17 =	simm.s32 $0x0  }
0x9b: {  	[tilespmem:s25], [sflag:$0x3] =	stream.indirect_vreg.gather [hbm4b:s2+s17], $0x80, v4, vm0, $0xb8;
	[tilespmem:$0x10100] =	vst v63  }
0x9c: {  	_ = 	snop  }
0x9d: {  	[tilespmem:s26], [sflag:$0x3] =	stream.indirect_vreg.gather [hbm4b:s2+s17], $0x80, v3, vm0, $0xb8;
	[tilespmem:$0x10100] =	vst v63  }
0x9e: {  	v3 =	vld [tilespmem:$0x50];
	_ =	sdelay $0x4  }
0x9f: {  	v4 =	vshll.u32 v3, $0x1  }
0xa0: {  	v3 =	vand.u32 $0x7, v3;
	v4 =	vand.u32 $0xFFFFFFF0, v4  }
0xa1: {  	v3 =	vor.u32 v3, v4  }
0xa2: {  	v4 =	vperm.xlane v3, v0;
	_ =	sdelay $0x1  }
0xa3: {  	v3 =	vperm.xlane v3, v2;
	v4 =	vadd.s32 v1, v4;
	_ =	sdelay $0x1  }
0xa4: {  	v3 =	vadd.s32 v1, v3;
	_ =	sdelay $0x2  }
0xa5: {  	[tilespmem:s28], [sflag:$0x3] =	stream.indirect_vreg.gather [hbm4b:s2+s17], $0x80, v4, vm0, $0xb8;
	[tilespmem:$0x10100] =	vst v63  }
0xa6: {  	s19 =	sand.u32 $0x1800, s17;
	s20 =	sand.u32 $0x380, s17  }
0xa7: {  	[tilespmem:s29], [sflag:$0x3] =	stream.indirect_vreg.gather [hbm4b:s2+s17], $0x80, v3, vm0, $0xb8;
	[tilespmem:$0x10100] =	vst v63  }
0xa8: {  	s19 =	sor.u32 s20, s19  }
0xa9: {  	[tilespmem:s30], [sflag:$0x4] =	stream.linear.gather [hbm4b:s8+s17], $0x2000, $0x38;
	[tilespmem:$0x10100] =	vst v63  }
0xaa: {  	v39 =	vld [tilespmem:s19+$0xA4C0]  }
0xab: {  	v40 =	vld [tilespmem:s19+$0x24C0]  }
0xac: {  	v41 =	vld [tilespmem:s19+$0xA4D0]  }
0xad: {  	v42 =	vld [tilespmem:s19+$0x24D0]  }
0xae: {  	v43 =	vld [tilespmem:s19+$0xA4E0]  }
0xaf: {  	v44 =	vld [tilespmem:s19+$0x24E0]  }
0xb0: {  	v3 =	vld [tilespmem:s19+$0xA4F0]  }
0xb1: {  	v4 =	vld [tilespmem:s19+$0x24F0]  }
0xb2: {  	v6 =	vld [tilespmem:s19+$0xA480]  }
0xb3: {  	v45 =	vsub.f32 v11, v16;
	v11 =	vld [tilespmem:s19+$0x2480]  }
0xb4: {  	v12 =	vsub.f32 v12, v13;
	v46 =	vsub.f32 v15, v18;
	v13 =	vld [tilespmem:s19+$0xA490]  }
0xb5: {  	v47 =	vsub.f32 v20, v24;
	v27 =	vsub.f32 v27, v28;
	v15 =	vld [tilespmem:s19+$0x2490]  }
0xb6: {  	v48 =	vsub.f32 v19, v21;
	v18 =	vsub.f32 v30, v33;
	v16 =	vld [tilespmem:s19+$0xA4A0]  }
0xb7: {  	v19 =	vsub.f32 v29, v32;
	v21 =	vsub.f32 v31, v34;
	v20 =	vld [tilespmem:s19+$0x24A0]  }
0xb8: {  	v22 =	vsub.f32 v22, v23;
	v24 =	vmul.f32 v18, v18;
	v23 =	vsub.f32 v35, v36;
	v18 =	vld [tilespmem:s19+$0xA4B0]  }
0xb9: {  	v14 =	vsub.f32 v14, v17;
	v19 =	vmul.f32 v19, v19;
	v17 =	vmul.f32 v21, v21;
	v21 =	vld [tilespmem:s19+$0x24B0]  }
0xba: {  	v25 =	vmul.f32 v25, v25;
	v7 =	vadd.f32 v24, v7;
	v23 =	vmul.f32 v23, v23;
	v24 =	vld [tilespmem:s19+$0xA0C0]  }
0xbb: {  	v29 =	vsub.f32 v37, v38;
	v10 =	vadd.f32 v19, v10;
	v19 =	vmul.f32 v27, v27;
	v28 =	vld [tilespmem:s19+$0x20C0]  }
0xbc: {  	v9 =	vadd.f32 v17, v9;
	v17 =	vmul.f32 v22, v22;
	v8 =	vadd.f32 v23, v8;
	v23 =	vld [tilespmem:s19+$0xA0D0]  }
0xbd: {  	v14 =	vmul.f32 v14, v14;
	v22 =	vmul.f32 v45, v45;
	v7 =	vadd.f32 v19, v7;
	v27 =	vld [tilespmem:s19+$0x20D0]  }
0xbe: {  	v29 =	vmul.f32 v29, v29;
	v10 =	vadd.f32 v17, v10;
	v17 =	vmul.f32 v46, v46;
	v19 =	vld [tilespmem:s19+$0xA0E0]  }
0xbf: {  	v9 =	vadd.f32 v14, v9;
	v14 =	vmul.f32 v47, v47;
	v7 =	vadd.f32 v22, v7;
	v22 =	vld [tilespmem:s19+$0x20E0]  }
0xc0: {  	v5 =	vmul.f32 v5, v5;
	v30 =	vmul.f32 v48, v48;
	v8 =	vadd.f32 v29, v8;
	v29 =	vld [tilespmem:s19+$0xA080]  }
0xc1: {  	v10 =	vadd.f32 v17, v10;
	v17 =	vmul.f32 v26, v26;
	v14 =	vadd.f32 v14, v9;
	v31 =	vld [tilespmem:s19+$0x2080]  }
0xc2: {  	v12 =	vmul.f32 v12, v12;
	v9 =	vadd.f32 v25, v7;
	v8 =	vadd.f32 v30, v8;
	v30 =	vld [tilespmem:s19+$0xA090]  }
0xc3: {  	v10 =	vadd.f32 v17, v10;
	v7 =	vadd.f32 v5, v14;
	v33 =	vld [tilespmem:s19+$0x2090]  }
0xc4: {  	v5 =	vadd.f32 v12, v8;
	v32 =	vld [tilespmem:s19+$0xA0A0];
	v25 =	vsub.f32 v39, v40  }
0xc5: {  	s20 =	simm.s32 $0x100;
	v34 =	vld [tilespmem:s19+$0x20A0];
	v26 =	vsub.f32 v41, v42;
	v8 =	vsub.f32 v43, v44  }
.LBB2_4:
0xc6: {  	p0 =	sne.s32 s20, $0x1F00;
	v12 =	vld [tilespmem:s19+$0xA0B0];
	v6 =	vsub.f32 v6, v11;
	v14 =	vsub.f32 v3, v4  }
0xc7: {  	v4 =	vsub.f32 v13, v15;
	v11 =	vsub.f32 v16, v20;
	s17 =	sadd.s32 $0x80, s17;
	v3 =	vld [tilespmem:s19+$0x20B0]  }
0xc8: {  	s21 =	sand.u32 $0x1800, s20;
	v13 =	vsub.f32 v24, v28;
	v16 =	vsub.f32 v18, v21;
	s22 =	sand.u32 $0x380, s17;
	v15 =	vld [tilespmem:s19+$0xA0F0]  }
0xc9: {  	v17 =	vsub.f32 v29, v31;
	v18 =	vsub.f32 v23, v27;
	v20 =	vld [tilespmem:s19+$0x20F0];
	s19 =	sor.u32 s22, s21  }
0xca: {  	v23 =	vmul.f32 v25, v25;
	v24 =	vmul.f32 v26, v26;
	v21 =	vsub.f32 v30, v33;
	v35 =	vld [tilespmem:s19+$0xA4C0]  }
0xcb: {  	v27 =	vmul.f32 v6, v6;
	v28 =	vmul.f32 v4, v4;
	v26 =	vsub.f32 v32, v34;
	v25 =	vld [tilespmem:s19+$0x24C0]  }
0xcc: {  	v6 =	vmul.f32 v13, v13;
	v36 =	vld [tilespmem:s19+$0xA4D0];
	v3 =	vsub.f32 v12, v3;
	v12 =	vmul.f32 v18, v18  }
0xcd: {  	v4 =	vmul.f32 v17, v17;
	v17 =	vsub.f32 v19, v22;
	v13 =	vmul.f32 v21, v21;
	v37 =	vld [tilespmem:s19+$0x24D0]  }
0xce: {  	v18 =	vmul.f32 v26, v26;
	v38 =	vld [tilespmem:s19+$0xA4E0];
	v19 =	vmul.f32 v3, v3;
	v15 =	vsub.f32 v15, v20  }
0xcf: {  	v9 =	vadd.f32 v4, v9;
	v10 =	vadd.f32 v13, v10;
	v13 =	vmul.f32 v17, v17;
	v39 =	vld [tilespmem:s19+$0x24E0]  }
0xd0: {  	v7 =	vadd.f32 v18, v7;
	v3 =	vld [tilespmem:s19+$0xA4F0];
	v5 =	vadd.f32 v19, v5;
	v15 =	vmul.f32 v15, v15  }
0xd1: {  	v9 =	vadd.f32 v6, v9;
	v10 =	vadd.f32 v12, v10;
	v12 =	vmul.f32 v11, v11;
	v4 =	vld [tilespmem:s19+$0x24F0]  }
0xd2: {  	v7 =	vadd.f32 v13, v7;
	v6 =	vld [tilespmem:s19+$0xA480];
	v5 =	vadd.f32 v15, v5;
	v15 =	vmul.f32 v16, v16  }
0xd3: {  	v8 =	vmul.f32 v8, v8;
	v9 =	vadd.f32 v27, v9;
	v10 =	vadd.f32 v28, v10;
	v11 =	vld [tilespmem:s19+$0x2480]  }
0xd4: {  	v7 =	vadd.f32 v12, v7;
	v12 =	vmul.f32 v14, v14;
	v13 =	vld [tilespmem:s19+$0xA490];
	v5 =	vadd.f32 v15, v5  }
0xd5: {  	v9 =	vadd.f32 v23, v9;
	v10 =	vadd.f32 v24, v10;
	v15 =	vld [tilespmem:s19+$0x2490]  }
0xd6: {  	v7 =	vadd.f32 v8, v7;
	v16 =	vld [tilespmem:s19+$0xA4A0];
	v5 =	vadd.f32 v12, v5  }
0xd7: {  	v20 =	vld [tilespmem:s19+$0x24A0]  }
0xd8: {  	v18 =	vld [tilespmem:s19+$0xA4B0]  }
0xd9: {  	v21 =	vld [tilespmem:s19+$0x24B0]  }
0xda: {  	v24 =	vld [tilespmem:s19+$0xA0C0]  }
0xdb: {  	v28 =	vld [tilespmem:s19+$0x20C0]  }
0xdc: {  	v23 =	vld [tilespmem:s19+$0xA0D0]  }
0xdd: {  	v27 =	vld [tilespmem:s19+$0x20D0]  }
0xde: {  	v19 =	vld [tilespmem:s19+$0xA0E0]  }
0xdf: {  	v22 =	vld [tilespmem:s19+$0x20E0]  }
0xe0: {  	v29 =	vld [tilespmem:s19+$0xA080]  }
.Ltmp1:
0xe1: {  	v31 =	vld [tilespmem:s19+$0x2080];
	(pc) =	sbr.rel @p0 .LBB2_4-.Ltmp1, $4  }
0xe2: {  	v30 =	vld [tilespmem:s19+$0xA090]  }
0xe3: {  	v33 =	vld [tilespmem:s19+$0x2090]  }
0xe4: {  	v25 =	vsub.f32 v35, v25;
	v32 =	vld [tilespmem:s19+$0xA0A0]  }
0xe5: {  	s20 =	sadd.s32 $0x100, s20;
	v26 =	vsub.f32 v36, v37;
	v8 =	vsub.f32 v38, v39;
	v34 =	vld [tilespmem:s19+$0x20A0]  }
0xe6: {  	v35 =	vld [tilespmem:s19+$0xA0B0]  }
0xe7: {  	v36 =	vld [tilespmem:s19+$0x20B0]  }
0xe8: {  	v37 =	vld [tilespmem:s19+$0xA0F0]  }
0xe9: {  	v38 =	vld [tilespmem:s19+$0x20F0];
	_ =	swait.ge [sflag:s31], $0x2000  }
0xea: {  	[sflag:s31] =	ssyncset.done $0x0  }
0xeb: {  	[sflag:s31] =	ssyncadd.s32 $0xFFFFE000  }
0xec: {  	_ =	swait.ge [sflag:s31], $0x2000  }
0xed: {  	[sflag:s31] =	ssyncset.done $0x0  }
0xee: {  	[sflag:s31] =	ssyncadd.s32 $0xFFFFE000  }
0xef: {  	v12 =	vld [tilespmem:$0x60];
	_ =	sdelay $0x4  }
0xf0: {  	v14 =	vshll.u32 v12, $0x1  }
0xf1: {  	v12 =	vand.u32 $0x7, v12;
	v14 =	vand.u32 $0xFFFFFFF0, v14  }
0xf2: {  	v12 =	vor.u32 v12, v14  }
0xf3: {  	v14 =	vperm.xlane v12, v0;
	_ =	sdelay $0x1  }
0xf4: {  	v12 =	vperm.xlane v12, v2;
	v14 =	vadd.s32 v1, v14;
	_ =	sdelay $0x1  }
0xf5: {  	v12 =	vadd.s32 v1, v12;
	_ =	sdelay $0x1  }
0xf6: {  	s17 =	simm.s32 $0x0  }
0xf7: {  	[tilespmem:s0], [sflag:$0x4] =	stream.indirect_vreg.gather [hbm4b:s2+s17], $0x80, v14, vm0, $0xb8;
	[tilespmem:$0x10100] =	vst v63  }
0xf8: {  	_ = 	snop  }
0xf9: {  	[tilespmem:s1], [sflag:$0x4] =	stream.indirect_vreg.gather [hbm4b:s2+s17], $0x80, v12, vm0, $0xb8;
	[tilespmem:$0x10100] =	vst v63  }
0xfa: {  	v12 =	vld [tilespmem:$0x70];
	_ =	sdelay $0x4  }
0xfb: {  	v14 =	vshll.u32 v12, $0x1  }
0xfc: {  	v12 =	vand.u32 $0x7, v12;
	v14 =	vand.u32 $0xFFFFFFF0, v14  }
0xfd: {  	v12 =	vor.u32 v12, v14  }
0xfe: {  	v14 =	vperm.xlane v12, v0;
	_ =	sdelay $0x1  }
0xff: {  	v12 =	vperm.xlane v12, v2;
	v14 =	vadd.s32 v1, v14;
	_ =	sdelay $0x1  }
0x100: {  	v12 =	vadd.s32 v1, v12;
	_ =	sdelay $0x1  }
0x101: {  	s22 =	sand.u32 $0x1800, s17;
	s20 =	sand.u32 $0x380, s17  }
0x102: {  	[tilespmem:s11], [sflag:$0x4] =	stream.indirect_vreg.gather [hbm4b:s2+s17], $0x80, v14, vm0, $0xb8;
	[tilespmem:$0x10100] =	vst v63  }
0x103: {  	s19 =	sor.u32 s20, s22  }
0x104: {  	[tilespmem:s12], [sflag:$0x4] =	stream.indirect_vreg.gather [hbm4b:s2+s17], $0x80, v12, vm0, $0xb8;
	[tilespmem:$0x10100] =	vst v63  }
0x105: {  	v39 =	vld [tilespmem:s19+$0xC4C0]  }
0x106: {  	v40 =	vld [tilespmem:s19+$0x44C0]  }
0x107: {  	v41 =	vld [tilespmem:s19+$0xC4D0]  }
0x108: {  	v42 =	vld [tilespmem:s19+$0x44D0]  }
0x109: {  	v43 =	vld [tilespmem:s19+$0xC4E0]  }
0x10a: {  	v44 =	vld [tilespmem:s19+$0x44E0]  }
0x10b: {  	v12 =	vld [tilespmem:s19+$0xC4F0]  }
0x10c: {  	v14 =	vld [tilespmem:s19+$0x44F0]  }
0x10d: {  	v17 =	vld [tilespmem:s19+$0xC480]  }
0x10e: {  	v6 =	vsub.f32 v6, v11;
	v11 =	vld [tilespmem:s19+$0x4480]  }
0x10f: {  	v3 =	vsub.f32 v3, v4;
	v4 =	vsub.f32 v13, v15;
	v13 =	vld [tilespmem:s19+$0xC490]  }
0x110: {  	v45 =	vsub.f32 v16, v20;
	v28 =	vsub.f32 v24, v28;
	v15 =	vld [tilespmem:s19+$0x4490]  }
0x111: {  	v46 =	vsub.f32 v18, v21;
	v18 =	vsub.f32 v29, v31;
	v16 =	vld [tilespmem:s19+$0xC4A0]  }
0x112: {  	v23 =	vsub.f32 v23, v27;
	v21 =	vsub.f32 v30, v33;
	v20 =	vld [tilespmem:s19+$0x44A0]  }
0x113: {  	v19 =	vsub.f32 v19, v22;
	v29 =	vmul.f32 v18, v18;
	v24 =	vsub.f32 v32, v34;
	v18 =	vld [tilespmem:s19+$0xC4B0]  }
0x114: {  	v8 =	vmul.f32 v8, v8;
	v30 =	vmul.f32 v21, v21;
	v27 =	vsub.f32 v35, v36;
	v21 =	vld [tilespmem:s19+$0x44B0]  }
0x115: {  	v19 =	vmul.f32 v19, v19;
	v9 =	vadd.f32 v29, v9;
	v22 =	vmul.f32 v24, v24;
	v24 =	vld [tilespmem:s19+$0xC0C0]  }
0x116: {  	v29 =	vmul.f32 v28, v28;
	v31 =	vsub.f32 v37, v38;
	v27 =	vmul.f32 v27, v27;
	v28 =	vld [tilespmem:s19+$0x40C0]  }
0x117: {  	v6 =	vmul.f32 v6, v6;
	v7 =	vadd.f32 v22, v7;
	v22 =	vmul.f32 v23, v23;
	v23 =	vld [tilespmem:s19+$0xC0D0]  }
0x118: {  	v10 =	vadd.f32 v30, v10;
	v30 =	vmul.f32 v31, v31;
	v5 =	vadd.f32 v27, v5;
	v27 =	vld [tilespmem:s19+$0x40D0]  }
0x119: {  	v4 =	vmul.f32 v4, v4;
	v9 =	vadd.f32 v29, v9;
	v7 =	vadd.f32 v19, v7;
	v19 =	vld [tilespmem:s19+$0xC0E0]  }
0x11a: {  	v10 =	vadd.f32 v22, v10;
	v5 =	vadd.f32 v30, v5;
	v30 =	vmul.f32 v45, v45;
	v22 =	vld [tilespmem:s19+$0x40E0]  }
0x11b: {  	v6 =	vadd.f32 v6, v9;
	v9 =	vmul.f32 v25, v25;
	v25 =	vmul.f32 v46, v46;
	v29 =	vld [tilespmem:s19+$0xC080]  }
0x11c: {  	v4 =	vadd.f32 v4, v10;
	v10 =	vmul.f32 v26, v26;
	v26 =	vadd.f32 v30, v7;
	v31 =	vld [tilespmem:s19+$0x4080]  }
0x11d: {  	v3 =	vmul.f32 v3, v3;
	v6 =	vadd.f32 v9, v6;
	v5 =	vadd.f32 v25, v5;
	v30 =	vld [tilespmem:s19+$0xC090]  }
0x11e: {  	v7 =	vadd.f32 v10, v4;
	v4 =	vadd.f32 v8, v26;
	v33 =	vld [tilespmem:s19+$0x4090]  }
0x11f: {  	v3 =	vadd.f32 v3, v5;
	v32 =	vld [tilespmem:s19+$0xC0A0];
	v25 =	vsub.f32 v39, v40  }
0x120: {  	s20 =	simm.s32 $0x100;
	v34 =	vld [tilespmem:s19+$0x40A0];
	v26 =	vsub.f32 v41, v42;
	v5 =	vsub.f32 v43, v44  }
.LBB2_6:
0x121: {  	p0 =	sne.s32 s20, $0x1F00;
	v8 =	vld [tilespmem:s19+$0xC0B0];
	v9 =	vsub.f32 v17, v11;
	v10 =	vsub.f32 v12, v14  }
0x122: {  	v12 =	vsub.f32 v13, v15;
	v13 =	vsub.f32 v16, v20;
	s17 =	sadd.s32 $0x80, s17;
	v11 =	vld [tilespmem:s19+$0x40B0]  }
0x123: {  	s21 =	sand.u32 $0x1800, s20;
	v14 =	vsub.f32 v24, v28;
	v16 =	vsub.f32 v18, v21;
	s22 =	sand.u32 $0x380, s17;
	v15 =	vld [tilespmem:s19+$0xC0F0]  }
0x124: {  	v17 =	vsub.f32 v29, v31;
	v18 =	vsub.f32 v23, v27;
	v20 =	vld [tilespmem:s19+$0x40F0];
	s19 =	sor.u32 s22, s21  }
0x125: {  	v23 =	vmul.f32 v25, v25;
	v24 =	vmul.f32 v26, v26;
	v21 =	vsub.f32 v30, v33;
	v35 =	vld [tilespmem:s19+$0xC4C0]  }
0x126: {  	v9 =	vmul.f32 v9, v9;
	v27 =	vmul.f32 v12, v12;
	v26 =	vsub.f32 v32, v34;
	v25 =	vld [tilespmem:s19+$0x44C0]  }
0x127: {  	v18 =	vmul.f32 v18, v18;
	v36 =	vld [tilespmem:s19+$0xC4D0];
	v8 =	vsub.f32 v8, v11;
	v11 =	vmul.f32 v14, v14  }
0x128: {  	v12 =	vmul.f32 v17, v17;
	v17 =	vsub.f32 v19, v22;
	v14 =	vmul.f32 v21, v21;
	v37 =	vld [tilespmem:s19+$0x44D0]  }
0x129: {  	v19 =	vmul.f32 v26, v26;
	v38 =	vld [tilespmem:s19+$0xC4E0];
	v8 =	vmul.f32 v8, v8;
	v15 =	vsub.f32 v15, v20  }
0x12a: {  	v6 =	vadd.f32 v12, v6;
	v7 =	vadd.f32 v14, v7;
	v20 =	vmul.f32 v17, v17;
	v39 =	vld [tilespmem:s19+$0x44E0]  }
0x12b: {  	v4 =	vadd.f32 v19, v4;
	v12 =	vld [tilespmem:s19+$0xC4F0];
	v3 =	vadd.f32 v8, v3;
	v8 =	vmul.f32 v15, v15  }
0x12c: {  	v6 =	vadd.f32 v11, v6;
	v7 =	vadd.f32 v18, v7;
	v15 =	vmul.f32 v13, v13;
	v14 =	vld [tilespmem:s19+$0x44F0]  }
0x12d: {  	v4 =	vadd.f32 v20, v4;
	v17 =	vld [tilespmem:s19+$0xC480];
	v3 =	vadd.f32 v8, v3;
	v8 =	vmul.f32 v16, v16  }
0x12e: {  	v5 =	vmul.f32 v5, v5;
	v6 =	vadd.f32 v9, v6;
	v7 =	vadd.f32 v27, v7;
	v11 =	vld [tilespmem:s19+$0x4480]  }
0x12f: {  	v4 =	vadd.f32 v15, v4;
	v13 =	vld [tilespmem:s19+$0xC490];
	v3 =	vadd.f32 v8, v3;
	v8 =	vmul.f32 v10, v10  }
0x130: {  	v6 =	vadd.f32 v23, v6;
	v7 =	vadd.f32 v24, v7;
	v15 =	vld [tilespmem:s19+$0x4490]  }
0x131: {  	v4 =	vadd.f32 v5, v4;
	v16 =	vld [tilespmem:s19+$0xC4A0];
	v3 =	vadd.f32 v8, v3  }
0x132: {  	v20 =	vld [tilespmem:s19+$0x44A0]  }
0x133: {  	v18 =	vld [tilespmem:s19+$0xC4B0]  }
0x134: {  	v21 =	vld [tilespmem:s19+$0x44B0]  }
0x135: {  	v24 =	vld [tilespmem:s19+$0xC0C0]  }
0x136: {  	v28 =	vld [tilespmem:s19+$0x40C0]  }
0x137: {  	v23 =	vld [tilespmem:s19+$0xC0D0]  }
0x138: {  	v27 =	vld [tilespmem:s19+$0x40D0]  }
0x139: {  	v19 =	vld [tilespmem:s19+$0xC0E0]  }
0x13a: {  	v22 =	vld [tilespmem:s19+$0x40E0]  }
0x13b: {  	v29 =	vld [tilespmem:s19+$0xC080]  }
.Ltmp2:
0x13c: {  	v31 =	vld [tilespmem:s19+$0x4080];
	(pc) =	sbr.rel @p0 .LBB2_6-.Ltmp2, $4  }
0x13d: {  	v30 =	vld [tilespmem:s19+$0xC090]  }
0x13e: {  	v33 =	vld [tilespmem:s19+$0x4090]  }
0x13f: {  	v25 =	vsub.f32 v35, v25;
	v32 =	vld [tilespmem:s19+$0xC0A0]  }
0x140: {  	s20 =	sadd.s32 $0x100, s20;
	v26 =	vsub.f32 v36, v37;
	v5 =	vsub.f32 v38, v39;
	v34 =	vld [tilespmem:s19+$0x40A0]  }
0x141: {  	v35 =	vld [tilespmem:s19+$0xC0B0]  }
0x142: {  	v36 =	vld [tilespmem:s19+$0x40B0]  }
0x143: {  	v37 =	vld [tilespmem:s19+$0xC0F0]  }
0x144: {  	v38 =	vld [tilespmem:s19+$0x40F0];
	_ =	swait.ge [sflag:s14], $0x2000  }
0x145: {  	[sflag:s14] =	ssyncset.done $0x0  }
0x146: {  	[sflag:s14] =	ssyncadd.s32 $0xFFFFE000  }
0x147: {  	s19 =	simm.s32 $0x0;
	_ =	swait.ge [sflag:s14], $0x2000  }
0x148: {  	s17 =	sand.u32 $0x1800, s19;
	s20 =	sand.u32 $0x380, s19;
	[sflag:s14] =	ssyncset.done $0x0  }
0x149: {  	s17 =	sor.u32 s20, s17;
	[sflag:s14] =	ssyncadd.s32 $0xFFFFE000  }
0x14a: {  	v39 =	vld [tilespmem:s17+$0xE4C0]  }
0x14b: {  	v40 =	vld [tilespmem:s17+$0x64C0]  }
0x14c: {  	v41 =	vld [tilespmem:s17+$0xE4D0]  }
0x14d: {  	v42 =	vld [tilespmem:s17+$0x64D0]  }
0x14e: {  	v43 =	vld [tilespmem:s17+$0xE4E0]  }
0x14f: {  	v44 =	vld [tilespmem:s17+$0x64E0]  }
0x150: {  	v8 =	vld [tilespmem:s17+$0xE4F0]  }
0x151: {  	v9 =	vld [tilespmem:s17+$0x64F0]  }
0x152: {  	v10 =	vld [tilespmem:s17+$0xE480]  }
0x153: {  	v17 =	vsub.f32 v17, v11;
	v11 =	vld [tilespmem:s17+$0x6480]  }
0x154: {  	v45 =	vsub.f32 v12, v14;
	v14 =	vsub.f32 v13, v15;
	v12 =	vld [tilespmem:s17+$0xE490]  }
0x155: {  	v46 =	vsub.f32 v16, v20;
	v16 =	vsub.f32 v29, v31;
	v13 =	vld [tilespmem:s17+$0x6490]  }
0x156: {  	v24 =	vsub.f32 v24, v28;
	v28 =	vsub.f32 v18, v21;
	v15 =	vld [tilespmem:s17+$0xE4A0]  }
0x157: {  	v23 =	vsub.f32 v23, v27;
	v20 =	vsub.f32 v30, v33;
	v29 =	vmul.f32 v16, v16;
	v18 =	vld [tilespmem:s17+$0x64A0]  }
0x158: {  	v31 =	vsub.f32 v19, v22;
	v24 =	vmul.f32 v24, v24;
	v17 =	vmul.f32 v17, v17;
	v16 =	vld [tilespmem:s17+$0xE4B0]  }
0x159: {  	v21 =	vsub.f32 v32, v34;
	v30 =	vmul.f32 v20, v20;
	v27 =	vsub.f32 v35, v36;
	v19 =	vld [tilespmem:s17+$0x64B0]  }
0x15a: {  	v6 =	vadd.f32 v29, v6;
	v29 =	vmul.f32 v23, v23;
	v63 =	vsub.f32 v37, v38;
	v20 =	vld [tilespmem:s17+$0xE0C0]  }
0x15b: {  	v21 =	vmul.f32 v21, v21;
	v7 =	vadd.f32 v30, v7;
	v22 =	vld [tilespmem:s17+$0x60C0];
	v27 =	vmul.f32 v27, v27  }
0x15c: {  	v30 =	vmul.f32 v31, v31;
	v6 =	vadd.f32 v24, v6;
	v23 =	vld [tilespmem:s17+$0x60D0];
	v24 =	vmul.f32 v14, v14  }
0x15d: {  	v14 =	vld [tilespmem:s17+$0xE0E0];
	v4 =	vadd.f32 v21, v4;
	v3 =	vadd.f32 v27, v3;
	v27 =	vmul.f32 v63, v63  }
0x15e: {  	v21 =	vld [tilespmem:s17+$0xE0D0];
	v7 =	vadd.f32 v29, v7;
	v6 =	vadd.f32 v17, v6  }
0x15f: {  	v17 =	vld [tilespmem:s17+$0x60E0];
	v4 =	vadd.f32 v30, v4;
	v3 =	vadd.f32 v27, v3;
	v27 =	vmul.f32 v46, v46  }
0x160: {  	v25 =	vmul.f32 v25, v25;
	v28 =	vmul.f32 v28, v28;
	v7 =	vadd.f32 v24, v7;
	v24 =	vld [tilespmem:s17+$0xE080]  }
0x161: {  	v26 =	vmul.f32 v26, v26;
	v5 =	vmul.f32 v5, v5;
	v29 =	vadd.f32 v27, v4;
	v27 =	vld [tilespmem:s17+$0x6080]  }
0x162: {  	v31 =	vmul.f32 v45, v45;
	v30 =	vadd.f32 v28, v3;
	v4 =	vadd.f32 v25, v6;
	v25 =	vld [tilespmem:s17+$0xE090]  }
0x163: {  	v6 =	vadd.f32 v26, v7;
	v28 =	vld [tilespmem:s17+$0x6090];
	v7 =	vsub.f32 v43, v44  }
0x164: {  	v26 =	vld [tilespmem:s17+$0xE0A0];
	v3 =	vadd.f32 v5, v29;
	v5 =	vadd.f32 v31, v30  }
0x165: {  	s20 =	simm.s32 $0x100;
	v30 =	vsub.f32 v39, v40;
	v29 =	vld [tilespmem:s17+$0x60A0];
	v31 =	vsub.f32 v41, v42  }
.LBB2_8:
0x166: {  	p0 =	sne.s32 s20, $0x1F00;
	v32 =	vld [tilespmem:s17+$0xE0B0];
	v10 =	vsub.f32 v10, v11;
	v33 =	vsub.f32 v8, v9  }
0x167: {  	v9 =	vsub.f32 v12, v13;
	v11 =	vsub.f32 v15, v18;
	s19 =	sadd.s32 $0x80, s19;
	v8 =	vld [tilespmem:s17+$0x60B0]  }
0x168: {  	s21 =	sand.u32 $0x1800, s20;
	v12 =	vsub.f32 v20, v22;
	v15 =	vsub.f32 v16, v19;
	s22 =	sand.u32 $0x380, s19;
	v13 =	vld [tilespmem:s17+$0xE0F0]  }
0x169: {  	v16 =	vsub.f32 v24, v27;
	v18 =	vsub.f32 v21, v23;
	v19 =	vld [tilespmem:s17+$0x60F0];
	s17 =	sor.u32 s22, s21  }
0x16a: {  	v21 =	vmul.f32 v30, v30;
	v22 =	vmul.f32 v31, v31;
	v20 =	vsub.f32 v25, v28;
	v34 =	vld [tilespmem:s17+$0xE4C0]  }
0x16b: {  	v24 =	vmul.f32 v10, v10;
	v25 =	vmul.f32 v9, v9;
	v23 =	vsub.f32 v26, v29;
	v30 =	vld [tilespmem:s17+$0x64C0]  }
0x16c: {  	v10 =	vmul.f32 v12, v12;
	v12 =	vmul.f32 v18, v18;
	v31 =	vld [tilespmem:s17+$0xE4D0];
	v8 =	vsub.f32 v32, v8  }
0x16d: {  	v14 =	vsub.f32 v14, v17;
	v9 =	vmul.f32 v16, v16;
	v16 =	vmul.f32 v20, v20;
	v32 =	vld [tilespmem:s17+$0x64D0]  }
0x16e: {  	v17 =	vmul.f32 v23, v23;
	v35 =	vld [tilespmem:s17+$0xE4E0];
	v18 =	vmul.f32 v8, v8;
	v13 =	vsub.f32 v13, v19  }
0x16f: {  	v14 =	vmul.f32 v14, v14;
	v4 =	vadd.f32 v9, v4;
	v6 =	vadd.f32 v16, v6;
	v36 =	vld [tilespmem:s17+$0x64E0]  }
0x170: {  	v3 =	vadd.f32 v17, v3;
	v8 =	vld [tilespmem:s17+$0xE4F0];
	v5 =	vadd.f32 v18, v5;
	v13 =	vmul.f32 v13, v13  }
0x171: {  	v4 =	vadd.f32 v10, v4;
	v16 =	vmul.f32 v11, v11;
	v6 =	vadd.f32 v12, v6;
	v9 =	vld [tilespmem:s17+$0x64F0]  }
0x172: {  	v3 =	vadd.f32 v14, v3;
	v10 =	vld [tilespmem:s17+$0xE480];
	v5 =	vadd.f32 v13, v5;
	v13 =	vmul.f32 v15, v15  }
0x173: {  	v7 =	vmul.f32 v7, v7;
	v4 =	vadd.f32 v24, v4;
	v6 =	vadd.f32 v25, v6;
	v11 =	vld [tilespmem:s17+$0x6480]  }
0x174: {  	v14 =	vmul.f32 v33, v33;
	v3 =	vadd.f32 v16, v3;
	v12 =	vld [tilespmem:s17+$0xE490];
	v5 =	vadd.f32 v13, v5  }
0x175: {  	v4 =	vadd.f32 v21, v4;
	v6 =	vadd.f32 v22, v6;
	v13 =	vld [tilespmem:s17+$0x6490]  }
0x176: {  	v3 =	vadd.f32 v7, v3;
	v15 =	vld [tilespmem:s17+$0xE4A0];
	v5 =	vadd.f32 v14, v5  }
0x177: {  	v18 =	vld [tilespmem:s17+$0x64A0]  }
0x178: {  	v16 =	vld [tilespmem:s17+$0xE4B0]  }
0x179: {  	v19 =	vld [tilespmem:s17+$0x64B0]  }
0x17a: {  	v20 =	vld [tilespmem:s17+$0xE0C0]  }
0x17b: {  	v22 =	vld [tilespmem:s17+$0x60C0]  }
0x17c: {  	v21 =	vld [tilespmem:s17+$0xE0D0]  }
0x17d: {  	v23 =	vld [tilespmem:s17+$0x60D0]  }
0x17e: {  	v14 =	vld [tilespmem:s17+$0xE0E0]  }
0x17f: {  	v17 =	vld [tilespmem:s17+$0x60E0]  }
0x180: {  	v24 =	vld [tilespmem:s17+$0xE080]  }
.Ltmp3:
0x181: {  	v27 =	vld [tilespmem:s17+$0x6080];
	(pc) =	sbr.rel @p0 .LBB2_8-.Ltmp3, $4  }
0x182: {  	v25 =	vld [tilespmem:s17+$0xE090]  }
0x183: {  	v28 =	vld [tilespmem:s17+$0x6090]  }
0x184: {  	v30 =	vsub.f32 v34, v30;
	v26 =	vld [tilespmem:s17+$0xE0A0]  }
0x185: {  	s20 =	sadd.s32 $0x100, s20;
	v31 =	vsub.f32 v31, v32;
	v7 =	vsub.f32 v35, v36;
	v29 =	vld [tilespmem:s17+$0x60A0]  }
0x186: {  	v32 =	vld [tilespmem:s17+$0xE0B0];
	v10 =	vsub.f32 v10, v11  }
0x187: {  	v8 =	vsub.f32 v8, v9;
	v49 =	vld [tilespmem:s17+$0x60B0];
	v50 =	vsub.f32 v12, v13  }
0x188: {  	v51 =	vsub.f32 v15, v18;
	v52 =	vsub.f32 v20, v22;
	v53 =	vld [tilespmem:s17+$0xE0F0]  }
0x189: {  	v16 =	vsub.f32 v16, v19;
	v54 =	vsub.f32 v24, v27;
	v56 =	vld [tilespmem:s17+$0x60F0];
	v58 =	vmul.f32 v30, v30  }
0x18a: {  	v55 =	vsub.f32 v21, v23;
	v59 =	vmul.f32 v31, v31;
	v10 =	vmul.f32 v10, v10  }
0x18b: {  	v57 =	vsub.f32 v25, v28;
	v11 =	vmul.f32 v50, v50;
	v13 =	vmul.f32 v52, v52  }
0x18c: {  	v19 =	vmul.f32 v55, v55;
	v60 =	vsub.f32 v26, v29;
	v9 =	vsub.f32 v32, v49  }
0x18d: {  	v14 =	vsub.f32 v14, v17;
	v18 =	vmul.f32 v54, v54;
	v21 =	vmul.f32 v57, v57  }
0x18e: {  	v15 =	vsub.f32 v53, v56;
	v61 =	vmul.f32 v60, v60;
	v9 =	vmul.f32 v9, v9  }
0x18f: {  	v14 =	vmul.f32 v14, v14;
	v4 =	vadd.f32 v18, v4;
	v6 =	vadd.f32 v21, v6  }
0x190: {  	v62 =	vmul.f32 v15, v15;
	v3 =	vadd.f32 v61, v3;
	v5 =	vadd.f32 v9, v5  }
0x191: {  	v12 =	vmul.f32 v51, v51;
	v4 =	vadd.f32 v13, v4;
	v6 =	vadd.f32 v19, v6  }
0x192: {  	v63 =	vmul.f32 v16, v16;
	v3 =	vadd.f32 v14, v3;
	v5 =	vadd.f32 v62, v5  }
0x193: {  	v7 =	vmul.f32 v7, v7;
	v4 =	vadd.f32 v10, v4;
	v6 =	vadd.f32 v11, v6  }
0x194: {  	v8 =	vmul.f32 v8, v8;
	v3 =	vadd.f32 v12, v3;
	v5 =	vadd.f32 v63, v5  }
0x195: {  	v4 =	vadd.f32 v58, v4;
	v6 =	vadd.f32 v59, v6  }
0x196: {  	v3 =	vadd.f32 v7, v3;
	v5 =	vadd.f32 v8, v5;
	_ =	sdelay $0x1  }
0x197: {  	v4 =	vadd.f32 v6, v4;
	v3 =	vadd.f32 v5, v3;
	_ =	sdelay $0x1  }
0x198: {  	s16 =	sadd.s32 $0x1, s16;
	v3 =	vadd.f32 v3, v4  }
0x199: {  	p0 =	sne.s32 s16, s10  }
.Ltmp4:
0x19a: {  	[tilespmem:$0x10080] =	vst v3;
	(pc) =	sbr.rel @p0 .LBB2_1-.Ltmp4, $4  }
0x19b: {  	[hbm4b:s9+s3] =	stream.linear.scatter [tilespmem:s15], [sflag:$0x5], $0x80, $0x38;
	[tilespmem:$0x10100] =	vst v63  }
0x19c: {  	_ =	swait.ge [sflag:s13], $0x80  }
0x19d: {  	[sflag:s13] =	ssyncset.done $0x0  }
0x19e: {  	[sflag:s13] =	ssyncadd.s32 $0xFFFFFF80  }
0x19f: {  	_ =	sfence.sel $0x180000  }
0x1a0: {  	[bflag:$0x0] =	sbarrier.arrive $0xFFFF  }
0x1a1: {  	_ =	strace $0x90000047  }
0x1a2: {  	s0 =	stileid.u32;
	[bflag:$0x2] =	sbarrier.arrive $0xFFFF  }
0x1a3: {  	p0 =	sne.s32 s0, $0x0;
	s0 =	rddreg [dreg:$0x4]  }
0x1a4: {  	s0 =	sadd.s32 @!p0 $0x100000, s0  }
0x1a5: {  	[sflag:s0] =	ssyncadd.tile.s32 @!p0 $0x1;
	_ =	shalt  }
.Lfunc_end2:
_tile_overlayer_lowered:
.L_overlay_start_2:
0x1a6: {  	(tag) =	ssettag $0x2  }
0x1a7: {  	s0 =	rddreg [dreg:$0x0];
	s2 =	stileid.u32  }
0x1a8: {  	s1 =	rddreg [dreg:$0x1];
	p0 =	sne.s32 s2, $0x0  }
0x1a9: {  	s3 =	rddreg [dreg:$0x2];
	[bflag:$0x3] =	sbarrier.arrive $0xFFFF;
	s2 =	simm.s32 @!p0 $0x1C05  }
0x1aa: {  	[timem:s3], [sflag:s2] =	dma.local @!p0 [hbm:s0], s1  }
0x1ab: {  	s0 =	simm.s32 @!p0 $0x5  }
0x1ac: {  	_ =	swait.ge @!p0 [sflag:s0], s1  }
0x1ad: {  	s1 =	ssub.s32 @!p0 $0x0, s1;
	[sflag:s0] =	ssyncset.done @!p0 $0x0  }
0x1ae: {  	[sflag:s0] =	ssyncadd.s32 @!p0 s1  }
0x1af: {  	[bflag:$0x3] =	sbarrier.arrive $0xFFFF  }
0x1b0: {  	_ =	shalt  }

</sc_bundles>
